<compile_context>
chip_gen: v7x
topology: tpu7x:2x2x1
jax: 0.10.2.dev20260603
libtpu: 0.0.44.dev20260713+nightly
codegen_flags: <defaults>
</compile_context>

<pallas_src>
import jax
import jax.numpy as jnp
from jax import lax
from jax.experimental import pallas as pl
from jax.experimental.pallas import tpu as pltpu
from jax.experimental.pallas import tpu_sc as plsc

B, S = 1024, 20
N = B * S
N2V_DIM = 128
T_FEAT, ED = 4, 8
T2V_DIM = 32
SMALL_D = 16
SMALL_V = 1000
TARGET = 64

NC, NS = 2, 16
NW = NC * NS
TOK_PER_W = N // NW
CHUNK = 128
NCHUNK = TOK_PER_W // CHUNK
NGRP = TOK_PER_W // 16


def _sc_gather_body(n2v_hbm, bt_hbm, ev_hbm, eq_hbm,
                    idx_n2v_hbm, idx_bt_hbm, idx_ev_hbm, idx_eq_hbm,
                    out_spat, out_bt, out_ev, out_eq,
                    idx_v, idxs_v, big_v, tab_v, outt_v, sem):
    wid = lax.axis_index("s") * NC + lax.axis_index("c")
    base = wid * TOK_PER_W

    pltpu.sync_copy(idx_n2v_hbm.at[pl.ds(base, TOK_PER_W)], idx_v)
    big_copies = [
        pltpu.async_copy(
            n2v_hbm.at[idx_v.at[pl.ds(j * CHUNK, CHUNK)]],
            big_v.at[pl.ds(j * CHUNK, CHUNK)], sem)
        for j in range(NCHUNK)
    ]

    def small_table(tab_hbm, idx_hbm, out_hbm):
        pltpu.sync_copy(tab_hbm, tab_v)
        pltpu.sync_copy(idx_hbm.at[pl.ds(base, TOK_PER_W)], idxs_v)

        def grp(g, _):
            off = pl.multiple_of(g * 16, 16)
            ids = idxs_v[pl.ds(off, 16)] * SMALL_D
            for k in range(SMALL_D):
                outt_v[k, pl.ds(off, 16)] = plsc.load_gather(tab_v, [ids + k])
            return _

        lax.fori_loop(0, NGRP, grp, None)
        pltpu.sync_copy(outt_v, out_hbm.at[:, pl.ds(base, TOK_PER_W)])

    small_table(bt_hbm, idx_bt_hbm, out_bt)
    small_table(ev_hbm, idx_ev_hbm, out_ev)
    small_table(eq_hbm, idx_eq_hbm, out_eq)

    for j, c in enumerate(big_copies):
        c.wait()
        pltpu.sync_copy(big_v.at[pl.ds(j * CHUNK, CHUNK)],
                        out_spat.at[pl.ds(base + j * CHUNK, CHUNK)])


def _sc_gather(n2v, btab, etab, qtab, idx_n2v, idx_bt, idx_ev, idx_eq):
    mesh = plsc.VectorSubcoreMesh(core_axis_name="c", subcore_axis_name="s")
    fn = pl.kernel(
        _sc_gather_body,
        out_type=[
            jax.ShapeDtypeStruct((N, N2V_DIM), jnp.float32),
            jax.ShapeDtypeStruct((SMALL_D, N), jnp.float32),
            jax.ShapeDtypeStruct((SMALL_D, N), jnp.float32),
            jax.ShapeDtypeStruct((SMALL_D, N), jnp.float32),
        ],
        mesh=mesh,
        compiler_params=pltpu.CompilerParams(needs_layout_passes=False),
        scratch_types=[
            pltpu.VMEM((TOK_PER_W,), jnp.int32),
            pltpu.VMEM((TOK_PER_W,), jnp.int32),
            pltpu.VMEM((TOK_PER_W, N2V_DIM), jnp.float32),
            pltpu.VMEM((SMALL_V * SMALL_D,), jnp.float32),
            pltpu.VMEM((SMALL_D, TOK_PER_W), jnp.float32),
            pltpu.SemaphoreType.DMA,
        ],
    )
    return fn(n2v, btab, etab, qtab, idx_n2v, idx_bt, idx_ev, idx_eq)


_PI_HI = 3.14159274101257324
_PI_LO = -8.74227765734758577e-08


def _fast_sin(x):
    n = jnp.round(x * (1.0 / 3.14159265358979))
    r = x - n * _PI_HI
    r = r - n * _PI_LO
    r = jnp.clip(r, -1.6, 1.6)
    s = r * r
    p = -2.50507586e-08
    p = p * s + 2.75573143e-06
    p = p * s + -1.98412701e-04
    p = p * s + 8.33333377e-03
    p = p * s + -1.66666672e-01
    p = r + r * (s * p)
    odd = jnp.round(n * 0.5) * 2.0 != n
    return jnp.where(odd, -p, p)


SB = 4


def _tc_body(spat_ref, btt_ref, evt_ref, eqt_ref, tf_ref, popc_ref,
             counts_ref, wf_ref, bf_ref, popw_ref, popb_ref,
             w1t_ref, w2t_ref, w3t_ref, w4t_ref, w5t_ref, w6t_ref,
             projb_ref, out_ref):
    f32 = jnp.float32

    pw2 = lax.dot_general(w4t_ref[...], popw_ref[...],
                          (((1,), (0,)), ((), ())),
                          preferred_element_type=f32)
    pb2 = lax.dot_general(w4t_ref[...], popb_ref[...],
                          (((1,), (0,)), ((), ())),
                          preferred_element_type=f32)

    cR = (((1,), (0,)), ((), ()))
    cT = (((1,), (1,)), ((), ()))

    for u in range(SB):
        c = pl.ds(u * B, B)

        tf_blk = tf_ref[:, c]
        tfr = jnp.concatenate(
            [jnp.broadcast_to(tf_blk[t:t + 1, :], (ED, B))
             for t in range(T_FEAT)], axis=0)
        aff = tfr * wf_ref[...] + bf_ref[...]
        row = lax.broadcasted_iota(jnp.int32, (T2V_DIM, B), 0)
        temporal = jnp.where(row % ED == 0, aff, _fast_sin(aff))

        csum_s = jnp.sum(counts_ref[u])

        acc = lax.dot_general(w1t_ref[...], spat_ref[pl.ds(u * B, B), :],
                              cT, preferred_element_type=f32)
        acc += lax.dot_general(w2t_ref[...], temporal, cR,
                               preferred_element_type=f32)
        acc += lax.dot_general(w3t_ref[...], btt_ref[:, c], cR,
                               preferred_element_type=f32) * csum_s
        acc += pw2 * popc_ref[:, c] + pb2
        acc += lax.dot_general(w5t_ref[...], evt_ref[:, c], cR,
                               preferred_element_type=f32)
        acc += lax.dot_general(w6t_ref[...], eqt_ref[:, c], cR,
                               preferred_element_type=f32)
        out_ref[u] = acc + projb_ref[...]


def _tc_fused(spat, btt, evt, eqt, tfT, popcT, countsT,
              wf, bf, popw, popb, w1t, w2t, w3t, w4t, w5t, w6t, projb):
    grid = (S // SB,)
    col_spec = lambda h: pl.BlockSpec((h, SB * B), lambda i: (0, i))
    full = lambda a: pl.BlockSpec(a.shape, lambda i: (0,) * a.ndim)
    return pl.pallas_call(
        _tc_body,
        grid=grid,
        in_specs=[
            pl.BlockSpec((SB * B, N2V_DIM), lambda i: (i, 0)),
            col_spec(SMALL_D), col_spec(SMALL_D), col_spec(SMALL_D),
            col_spec(T_FEAT), col_spec(1),
            pl.BlockSpec((SB, 1, B), lambda i: (i, 0, 0)),
            full(wf), full(bf), full(popw), full(popb),
            full(w1t), full(w2t), full(w3t), full(w4t), full(w5t),
            full(w6t), full(projb),
        ],
        out_specs=pl.BlockSpec((SB, TARGET, B), lambda i: (i, 0, 0)),
        out_shape=jax.ShapeDtypeStruct((S, TARGET, B), jnp.float32),
        compiler_params=pltpu.CompilerParams(
            fuse_transposed_lhs_in_matmul=True),
    )(spat, btt, evt, eqt, tfT, popcT, countsT,
      wf, bf, popw, popb, w1t, w2t, w3t, w4t, w5t, w6t, projb)


def kernel(neighborhood_ids, time_features, building_type_ids,
           building_counts, population, event_type_ids, equipment_ids,
           node2vec_table, t2v_weight, t2v_bias, building_table,
           pop_W, pop_b, event_table, equip_table, proj_W, proj_b):
    idx_n2v = neighborhood_ids.reshape(B, S).T.reshape(N)
    idx_bt = building_type_ids[:, :, 0].T.reshape(N)
    idx_ev = event_type_ids.reshape(B, S).T.reshape(N)
    idx_eq = equipment_ids.reshape(B, S).T.reshape(N)

    spat, btt, evt, eqt = _sc_gather(
        node2vec_table,
        building_table.reshape(SMALL_V * SMALL_D),
        event_table.reshape(SMALL_V * SMALL_D),
        equip_table.reshape(SMALL_V * SMALL_D),
        idx_n2v, idx_bt, idx_ev, idx_eq)

    wt = proj_W.T
    out = _tc_fused(
        spat, btt, evt, eqt,
        jnp.transpose(time_features, (2, 1, 0)).reshape(T_FEAT, N),
        population[:, :, 0].T.reshape(1, N),
        building_counts[:, :, 0].T.reshape(S, 1, B),
        t2v_weight.reshape(T2V_DIM, 1),
        t2v_bias.reshape(T2V_DIM, 1),
        pop_W.reshape(8, 1), pop_b.reshape(8, 1),
        wt[:, 0:128], wt[:, 128:160], wt[:, 160:176],
        wt[:, 176:184], wt[:, 184:200], wt[:, 200:216],
        proj_b.reshape(TARGET, 1))
    return jnp.transpose(out, (2, 0, 1))

# --- scband reference (transcript-rebuilt; emitter-appended) ---
"""Pipeline reference for scband-combined-embedding-20761871909648 (READ-ONLY COPY).

The authoritative reference and input builder live on the scoring server;
editing this copy changes nothing except your own understanding.
"""

import jax, jax.numpy as jnp
import numpy as np

B, S, K = 1024, 20, 10
VOCAB, N2V_DIM = 100000, 128
T_FEAT, T2V_DIM = 4, 32
ED = T2V_DIM // T_FEAT
NB_TYPES, BT_DIM = 1000, 16
POP_DIM = 8
NE_TYPES, ET_DIM = 1000, 16
NQ_TYPES, EQ_DIM = 1000, 16
PROJ_IN = N2V_DIM + T2V_DIM + BT_DIM + POP_DIM + ET_DIM + EQ_DIM
TARGET = 64


def setup_inputs(seed: int = 0) -> dict:
    key = jax.random.key(seed)
    ks = jax.random.split(key, 18)
    inp = {}
    inp["neighborhood_ids"] = jax.random.randint(ks[0], (B, S, 1), 0, VOCAB, dtype=jnp.int32)
    inp["time_features"] = jax.random.normal(ks[1], (B, S, T_FEAT), dtype=jnp.float32)
    inp["building_type_ids"] = jax.random.randint(ks[2], (B, S, K), 0, NB_TYPES, dtype=jnp.int32)
    inp["building_counts"] = jax.random.uniform(ks[3], (B, S, K), dtype=jnp.float32)
    inp["population"] = jax.random.uniform(ks[4], (B, S, 1), dtype=jnp.float32)
    inp["event_type_ids"] = jax.random.randint(ks[5], (B, S, 1), 0, NE_TYPES, dtype=jnp.int32)
    inp["equipment_ids"] = jax.random.randint(ks[6], (B, S, 1), 0, NQ_TYPES, dtype=jnp.int32)
    # learned parameters
    inp["node2vec_table"] = jax.random.normal(ks[7], (VOCAB, N2V_DIM), dtype=jnp.float32) * 0.02
    inp["t2v_weight"] = jax.random.normal(ks[8], (T_FEAT, ED), dtype=jnp.float32)
    inp["t2v_bias"] = jax.random.normal(ks[9], (T_FEAT, ED), dtype=jnp.float32)
    inp["building_table"] = jax.random.normal(ks[10], (NB_TYPES, BT_DIM), dtype=jnp.float32) * 0.02
    inp["pop_W"] = jax.random.normal(ks[11], (1, POP_DIM), dtype=jnp.float32) * 0.5
    inp["pop_b"] = jax.random.normal(ks[12], (POP_DIM,), dtype=jnp.float32) * 0.05
    inp["event_table"] = jax.random.normal(ks[13], (NE_TYPES, ET_DIM), dtype=jnp.float32) * 0.02
    inp["equip_table"] = jax.random.normal(ks[14], (NQ_TYPES, EQ_DIM), dtype=jnp.float32) * 0.02
    inp["proj_W"] = jax.random.normal(ks[15], (PROJ_IN, TARGET), dtype=jnp.float32) * (1.0 / np.sqrt(PROJ_IN))
    inp["proj_b"] = jax.random.normal(ks[16], (TARGET,), dtype=jnp.float32) * 0.05
    return inp


def time2vec(x, W, bias):
    # torch.diag_embed(x) @ W + bias
    Tn = x.shape[-1]
    diag = x[..., :, None] * jnp.eye(Tn, dtype=x.dtype)  # [B,S,T,T]
    aff = jnp.matmul(diag, W) + bias                      # [B,S,T,ED]
    first = aff[..., :1]
    rest = jnp.sin(aff[..., 1:])
    out = jnp.concatenate([first, rest], axis=-1)
    return out.reshape(x.shape[0], x.shape[1], -1)        # [B,S,T*ED]


def reference(neighborhood_ids, time_features, building_type_ids, building_counts,
              population, event_type_ids, equipment_ids,
              node2vec_table, t2v_weight, t2v_bias, building_table,
              pop_W, pop_b, event_table, equip_table, proj_W, proj_b):
    # spatial embedding: gather + squeeze(2)
    spatial = jnp.squeeze(jnp.take(node2vec_table, neighborhood_ids, axis=0), axis=2)  # [B,S,128]
    temporal = time2vec(time_features, t2v_weight, t2v_bias)                            # [B,S,32]
    # building type embedding: gather then [:, :, 0, :]
    bt = jnp.take(building_table, building_type_ids, axis=0)[:, :, 0, :]               # [B,S,16]
    # counts: unsqueeze(-1).repeat(1,1,1,d)[:, :, 0, :] == broadcast counts[:, :, 0]
    counts = jnp.broadcast_to(building_counts[:, :, 0:1], bt.shape)                     # [B,S,16]
    # torch: (bt.unsqueeze(1) * counts).sum(dim=1); broadcasting yields
    # P[i,j,s,d] = bt[i,s,d] * counts[j,s,d]; sum over j == bt * counts.sum(axis=0)
    building = bt * jnp.sum(counts, axis=0)                                             # [B,S,16]
    pop = population[..., None]                                                         # [B,S,1,1]
    pop_e = jnp.squeeze(jnp.matmul(pop, pop_W) + pop_b, axis=2)                         # [B,S,8]
    ev = jnp.squeeze(jnp.take(event_table, event_type_ids, axis=0), axis=2)             # [B,S,16]
    eq = jnp.squeeze(jnp.take(equip_table, equipment_ids, axis=0), axis=2)              # [B,S,16]
    combined = jnp.concatenate([spatial, temporal, building, pop_e, ev, eq], axis=-1)   # [B,S,216]
    return jnp.matmul(combined, proj_W) + proj_b                                        # [B,S,64]

if __name__ == "__main__":
    import jax
    _d = setup_inputs()
    print(jax.jit(kernel)(*tuple(_d.values())))

</pallas_src>

<mosaic_0001>
#map = affine_map<(d0, d1) -> (0, 0)>
#map1 = affine_map<(d0, d1) -> (0)>
module attributes {stable_mosaic.version = 14 : i64} {
  func.func @_sc_gather_body(%arg0: i32, %arg1: i32, %arg2: memref<100000x128xf32, #tpu.memory_space<hbm>>, %arg3: memref<16000xf32, #tpu.memory_space<hbm>>, %arg4: memref<16000xf32, #tpu.memory_space<hbm>>, %arg5: memref<16000xf32, #tpu.memory_space<hbm>>, %arg6: memref<20480xi32, #tpu.memory_space<hbm>>, %arg7: memref<20480xi32, #tpu.memory_space<hbm>>, %arg8: memref<20480xi32, #tpu.memory_space<hbm>>, %arg9: memref<20480xi32, #tpu.memory_space<hbm>>, %arg10: memref<20480x128xf32, #tpu.memory_space<hbm>>, %arg11: memref<16x20480xf32, #tpu.memory_space<hbm>>, %arg12: memref<16x20480xf32, #tpu.memory_space<hbm>>, %arg13: memref<16x20480xf32, #tpu.memory_space<hbm>>, %arg14: memref<640xi32, #tpu.memory_space<vmem>>, %arg15: memref<640xi32, #tpu.memory_space<vmem>>, %arg16: memref<640x128xf32, #tpu.memory_space<vmem>>, %arg17: memref<16000xf32, #tpu.memory_space<vmem>>, %arg18: memref<16x640xf32, #tpu.memory_space<vmem>>, %arg19: memref<!tpu.dma_semaphore, #tpu.memory_space<semaphore_mem>>) attributes {dimension_semantics = [#tpu.dimension_semantics<core_parallel>, #tpu.dimension_semantics<subcore_parallel>], iteration_bounds = array<i64: 2, 16>, scalar_prefetch = 0 : i64, scratch_operands = 6 : i64, tpu.core_type = #tpu.core_type<sc_vector_subcore>, window_params = [{transform_indices = #map}, {transform_indices = #map1}, {transform_indices = #map1}, {transform_indices = #map1}, {transform_indices = #map1}, {transform_indices = #map1}, {transform_indices = #map1}, {transform_indices = #map1}, {transform_indices = #map}, {transform_indices = #map}, {transform_indices = #map}, {transform_indices = #map}]} {
    %mul3A = arith.constant 2 : i32
    %mul3A_0 = arith.muli %arg1, %mul3A : i32
    %add3A = arith.addi %mul3A_0, %arg0 : i32
    %mul3A_1 = arith.constant 640 : i32
    %mul3A_2 = arith.muli %add3A, %mul3A_1 : i32
    "tpu.region"() ({
      %run_scoped3A = tpu.sem_alloc : memref<!tpu.dma_semaphore, #tpu.memory_space<semaphore_mem>>
      %dma_start3A_105 = tpu.memref_slice %arg6[%mul3A_2] : memref<20480xi32, #tpu.memory_space<hbm>> -> memref<640xi32, #tpu.memory_space<hbm>>
      %dma_start3A_106 = tpu.memref_slice %arg6[%mul3A_2] : memref<20480xi32, #tpu.memory_space<hbm>> -> memref<640xi32, #tpu.memory_space<hbm>>
      tpu.enqueue_dma source(%dma_start3A_106 : memref<640xi32, #tpu.memory_space<hbm>>) target(%arg14 : memref<640xi32, #tpu.memory_space<vmem>>) target_semaphore(%run_scoped3A : memref<!tpu.dma_semaphore, #tpu.memory_space<semaphore_mem>>)
      %dma_wait3A_107 = tpu.memref_slice %arg6[%mul3A_2] : memref<20480xi32, #tpu.memory_space<hbm>> -> memref<640xi32, #tpu.memory_space<hbm>>
      %dma_wait3A_108 = tpu.memref_slice %arg6[%mul3A_2] : memref<20480xi32, #tpu.memory_space<hbm>> -> memref<640xi32, #tpu.memory_space<hbm>>
      tpu.wait_dma2 semaphore(%run_scoped3A : memref<!tpu.dma_semaphore, #tpu.memory_space<semaphore_mem>>) src(%dma_wait3A_108 : memref<640xi32, #tpu.memory_space<hbm>>) dst(%arg14 : memref<640xi32, #tpu.memory_space<vmem>>)
      tpu.yield
    }) : () -> ()
    %dma_start3A = arith.constant 0 : i32
    %dma_start3A_3 = arith.constant 0 : i32
    %dma_start3A_4 = tpu.memref_slice %arg16[%dma_start3A, %dma_start3A_3] : memref<640x128xf32, #tpu.memory_space<vmem>> -> memref<128x128xf32, #tpu.memory_space<vmem>>
    %dma_start3A_5 = arith.constant 0 : i32
    %dma_start3A_6 = tpu.memref_slice %arg14[%dma_start3A_5] : memref<640xi32, #tpu.memory_space<vmem>> -> memref<128xi32, #tpu.memory_space<vmem>>
    %dma_start3A_7 = arith.constant 0 : i32
    %dma_start3A_8 = arith.constant 0 : i32
    %dma_start3A_9 = tpu.memref_slice %arg2[%dma_start3A_7, %dma_start3A_8] : memref<100000x128xf32, #tpu.memory_space<hbm>> -> memref<100000x128xf32, #tpu.memory_space<hbm>>
    tpu.enqueue_indirect_dma source(%dma_start3A_9 : memref<100000x128xf32, #tpu.memory_space<hbm>>) target(%dma_start3A_4 : memref<128x128xf32, #tpu.memory_space<vmem>>) offsets(%dma_start3A_6 : memref<128xi32, #tpu.memory_space<vmem>>) semaphore(%arg19 : memref<!tpu.dma_semaphore, #tpu.memory_space<semaphore_mem>>)
    %dma_start3A_10 = arith.constant 128 : i32
    %dma_start3A_11 = arith.constant 0 : i32
    %dma_start3A_12 = tpu.memref_slice %arg16[%dma_start3A_10, %dma_start3A_11] : memref<640x128xf32, #tpu.memory_space<vmem>> -> memref<128x128xf32, #tpu.memory_space<vmem>>
    %dma_start3A_13 = arith.constant 128 : i32
    %dma_start3A_14 = tpu.memref_slice %arg14[%dma_start3A_13] : memref<640xi32, #tpu.memory_space<vmem>> -> memref<128xi32, #tpu.memory_space<vmem>>
    %dma_start3A_15 = arith.constant 0 : i32
    %dma_start3A_16 = arith.constant 0 : i32
    %dma_start3A_17 = tpu.memref_slice %arg2[%dma_start3A_15, %dma_start3A_16] : memref<100000x128xf32, #tpu.memory_space<hbm>> -> memref<100000x128xf32, #tpu.memory_space<hbm>>
    tpu.enqueue_indirect_dma source(%dma_start3A_17 : memref<100000x128xf32, #tpu.memory_space<hbm>>) target(%dma_start3A_12 : memref<128x128xf32, #tpu.memory_space<vmem>>) offsets(%dma_start3A_14 : memref<128xi32, #tpu.memory_space<vmem>>) semaphore(%arg19 : memref<!tpu.dma_semaphore, #tpu.memory_space<semaphore_mem>>)
    %dma_start3A_18 = arith.constant 256 : i32
    %dma_start3A_19 = arith.constant 0 : i32
    %dma_start3A_20 = tpu.memref_slice %arg16[%dma_start3A_18, %dma_start3A_19] : memref<640x128xf32, #tpu.memory_space<vmem>> -> memref<128x128xf32, #tpu.memory_space<vmem>>
    %dma_start3A_21 = arith.constant 256 : i32
    %dma_start3A_22 = tpu.memref_slice %arg14[%dma_start3A_21] : memref<640xi32, #tpu.memory_space<vmem>> -> memref<128xi32, #tpu.memory_space<vmem>>
    %dma_start3A_23 = arith.constant 0 : i32
    %dma_start3A_24 = arith.constant 0 : i32
    %dma_start3A_25 = tpu.memref_slice %arg2[%dma_start3A_23, %dma_start3A_24] : memref<100000x128xf32, #tpu.memory_space<hbm>> -> memref<100000x128xf32, #tpu.memory_space<hbm>>
    tpu.enqueue_indirect_dma source(%dma_start3A_25 : memref<100000x128xf32, #tpu.memory_space<hbm>>) target(%dma_start3A_20 : memref<128x128xf32, #tpu.memory_space<vmem>>) offsets(%dma_start3A_22 : memref<128xi32, #tpu.memory_space<vmem>>) semaphore(%arg19 : memref<!tpu.dma_semaphore, #tpu.memory_space<semaphore_mem>>)
    %dma_start3A_26 = arith.constant 384 : i32
    %dma_start3A_27 = arith.constant 0 : i32
    %dma_start3A_28 = tpu.memref_slice %arg16[%dma_start3A_26, %dma_start3A_27] : memref<640x128xf32, #tpu.memory_space<vmem>> -> memref<128x128xf32, #tpu.memory_space<vmem>>
    %dma_start3A_29 = arith.constant 384 : i32
    %dma_start3A_30 = tpu.memref_slice %arg14[%dma_start3A_29] : memref<640xi32, #tpu.memory_space<vmem>> -> memref<128xi32, #tpu.memory_space<vmem>>
    %dma_start3A_31 = arith.constant 0 : i32
    %dma_start3A_32 = arith.constant 0 : i32
    %dma_start3A_33 = tpu.memref_slice %arg2[%dma_start3A_31, %dma_start3A_32] : memref<100000x128xf32, #tpu.memory_space<hbm>> -> memref<100000x128xf32, #tpu.memory_space<hbm>>
    tpu.enqueue_indirect_dma source(%dma_start3A_33 : memref<100000x128xf32, #tpu.memory_space<hbm>>) target(%dma_start3A_28 : memref<128x128xf32, #tpu.memory_space<vmem>>) offsets(%dma_start3A_30 : memref<128xi32, #tpu.memory_space<vmem>>) semaphore(%arg19 : memref<!tpu.dma_semaphore, #tpu.memory_space<semaphore_mem>>)
    %dma_start3A_34 = arith.constant 512 : i32
    %dma_start3A_35 = arith.constant 0 : i32
    %dma_start3A_36 = tpu.memref_slice %arg16[%dma_start3A_34, %dma_start3A_35] : memref<640x128xf32, #tpu.memory_space<vmem>> -> memref<128x128xf32, #tpu.memory_space<vmem>>
    %dma_start3A_37 = arith.constant 512 : i32
    %dma_start3A_38 = tpu.memref_slice %arg14[%dma_start3A_37] : memref<640xi32, #tpu.memory_space<vmem>> -> memref<128xi32, #tpu.memory_space<vmem>>
    %dma_start3A_39 = arith.constant 0 : i32
    %dma_start3A_40 = arith.constant 0 : i32
    %dma_start3A_41 = tpu.memref_slice %arg2[%dma_start3A_39, %dma_start3A_40] : memref<100000x128xf32, #tpu.memory_space<hbm>> -> memref<100000x128xf32, #tpu.memory_space<hbm>>
    tpu.enqueue_indirect_dma source(%dma_start3A_41 : memref<100000x128xf32, #tpu.memory_space<hbm>>) target(%dma_start3A_36 : memref<128x128xf32, #tpu.memory_space<vmem>>) offsets(%dma_start3A_38 : memref<128xi32, #tpu.memory_space<vmem>>) semaphore(%arg19 : memref<!tpu.dma_semaphore, #tpu.memory_space<semaphore_mem>>)
    "tpu.region"() ({
      %run_scoped3A = tpu.sem_alloc : memref<!tpu.dma_semaphore, #tpu.memory_space<semaphore_mem>>
      tpu.enqueue_dma source(%arg3 : memref<16000xf32, #tpu.memory_space<hbm>>) target(%arg17 : memref<16000xf32, #tpu.memory_space<vmem>>) target_semaphore(%run_scoped3A : memref<!tpu.dma_semaphore, #tpu.memory_space<semaphore_mem>>)
      tpu.wait_dma2 semaphore(%run_scoped3A : memref<!tpu.dma_semaphore, #tpu.memory_space<semaphore_mem>>) src(%arg3 : memref<16000xf32, #tpu.memory_space<hbm>>) dst(%arg17 : memref<16000xf32, #tpu.memory_space<vmem>>)
      tpu.yield
    }) : () -> ()
    "tpu.region"() ({
      %run_scoped3A = tpu.sem_alloc : memref<!tpu.dma_semaphore, #tpu.memory_space<semaphore_mem>>
      %dma_start3A_105 = tpu.memref_slice %arg7[%mul3A_2] : memref<20480xi32, #tpu.memory_space<hbm>> -> memref<640xi32, #tpu.memory_space<hbm>>
      %dma_start3A_106 = tpu.memref_slice %arg7[%mul3A_2] : memref<20480xi32, #tpu.memory_space<hbm>> -> memref<640xi32, #tpu.memory_space<hbm>>
      tpu.enqueue_dma source(%dma_start3A_106 : memref<640xi32, #tpu.memory_space<hbm>>) target(%arg15 : memref<640xi32, #tpu.memory_space<vmem>>) target_semaphore(%run_scoped3A : memref<!tpu.dma_semaphore, #tpu.memory_space<semaphore_mem>>)
      %dma_wait3A_107 = tpu.memref_slice %arg7[%mul3A_2] : memref<20480xi32, #tpu.memory_space<hbm>> -> memref<640xi32, #tpu.memory_space<hbm>>
      %dma_wait3A_108 = tpu.memref_slice %arg7[%mul3A_2] : memref<20480xi32, #tpu.memory_space<hbm>> -> memref<640xi32, #tpu.memory_space<hbm>>
      tpu.wait_dma2 semaphore(%run_scoped3A : memref<!tpu.dma_semaphore, #tpu.memory_space<semaphore_mem>>) src(%dma_wait3A_108 : memref<640xi32, #tpu.memory_space<hbm>>) dst(%arg15 : memref<640xi32, #tpu.memory_space<vmem>>)
      tpu.yield
    }) : () -> ()
    %scan3A = arith.constant 0 : i32
    %scan3A_42 = arith.constant 40 : i32
    %scan3A_43 = arith.addi %scan3A, %scan3A_42 : i32
    %scan3A_44 = arith.constant 1 : i32
    scf.for %scan3A_105 = %scan3A to %scan3A_43 step %scan3A_44  : i32 {
      %mul3A_106 = arith.constant 16 : i32
      %mul3A_107 = arith.muli %scan3A_105, %mul3A_106 : i32
      %multiple_of3A = tpu.assume_multiple %mul3A_107, 16 : i32
      %get3A = arith.index_cast %multiple_of3A : i32 to index
      %get3A_108 = tpu.vector_load %arg15[%get3A] {strides = array<i32>} : memref<640xi32, #tpu.memory_space<vmem>>, vector<16xi32>,
      %mul3A_109 = arith.constant 16 : i32
      %mul3A_110 = vector.broadcast %mul3A_109 : i32 to vector<16xi32>
      %mul3A_111 = arith.muli %get3A_108, %mul3A_110 : vector<16xi32>
      %add3A_112 = arith.constant 0 : i32
      %add3A_113 = vector.broadcast %add3A_112 : i32 to vector<16xi32>
      %add3A_114 = arith.addi %mul3A_111, %add3A_113 : vector<16xi32>
      %gather3A = tpu.vector_load_idx %arg17[%add3A_114] : memref<16000xf32, #tpu.memory_space<vmem>>[vector<16xi32>], vector<16xf32>,
      %swap3A = arith.constant 0 : i32
      %swap3A_115 = arith.index_cast %swap3A : i32 to index
      %swap3A_116 = arith.index_cast %multiple_of3A : i32 to index
      %swap3A_117 = tpu.vector_load %arg18[%swap3A_115, %swap3A_116] {strides = array<i32>} : memref<16x640xf32, #tpu.memory_space<vmem>>, vector<16xf32>,
      tpu.vector_store %arg18[%swap3A_115, %swap3A_116], %gather3A {strides = array<i32>} : memref<16x640xf32, #tpu.memory_space<vmem>>, vector<16xf32>,
      %add3A_118 = arith.constant 1 : i32
      %add3A_119 = vector.broadcast %add3A_118 : i32 to vector<16xi32>
      %add3A_120 = arith.addi %mul3A_111, %add3A_119 : vector<16xi32>
      %gather3A_121 = tpu.vector_load_idx %arg17[%add3A_120] : memref<16000xf32, #tpu.memory_space<vmem>>[vector<16xi32>], vector<16xf32>,
      %swap3A_122 = arith.constant 1 : i32
      %swap3A_123 = arith.index_cast %swap3A_122 : i32 to index
      %swap3A_124 = arith.index_cast %multiple_of3A : i32 to index
      %swap3A_125 = tpu.vector_load %arg18[%swap3A_123, %swap3A_124] {strides = array<i32>} : memref<16x640xf32, #tpu.memory_space<vmem>>, vector<16xf32>,
      tpu.vector_store %arg18[%swap3A_123, %swap3A_124], %gather3A_121 {strides = array<i32>} : memref<16x640xf32, #tpu.memory_space<vmem>>, vector<16xf32>,
      %add3A_126 = arith.constant 2 : i32
      %add3A_127 = vector.broadcast %add3A_126 : i32 to vector<16xi32>
      %add3A_128 = arith.addi %mul3A_111, %add3A_127 : vector<16xi32>
      %gather3A_129 = tpu.vector_load_idx %arg17[%add3A_128] : memref<16000xf32, #tpu.memory_space<vmem>>[vector<16xi32>], vector<16xf32>,
      %swap3A_130 = arith.constant 2 : i32
      %swap3A_131 = arith.index_cast %swap3A_130 : i32 to index
      %swap3A_132 = arith.index_cast %multiple_of3A : i32 to index
      %swap3A_133 = tpu.vector_load %arg18[%swap3A_131, %swap3A_132] {strides = array<i32>} : memref<16x640xf32, #tpu.memory_space<vmem>>, vector<16xf32>,
      tpu.vector_store %arg18[%swap3A_131, %swap3A_132], %gather3A_129 {strides = array<i32>} : memref<16x640xf32, #tpu.memory_space<vmem>>, vector<16xf32>,
      %add3A_134 = arith.constant 3 : i32
      %add3A_135 = vector.broadcast %add3A_134 : i32 to vector<16xi32>
      %add3A_136 = arith.addi %mul3A_111, %add3A_135 : vector<16xi32>
      %gather3A_137 = tpu.vector_load_idx %arg17[%add3A_136] : memref<16000xf32, #tpu.memory_space<vmem>>[vector<16xi32>], vector<16xf32>,
      %swap3A_138 = arith.constant 3 : i32
      %swap3A_139 = arith.index_cast %swap3A_138 : i32 to index
      %swap3A_140 = arith.index_cast %multiple_of3A : i32 to index
      %swap3A_141 = tpu.vector_load %arg18[%swap3A_139, %swap3A_140] {strides = array<i32>} : memref<16x640xf32, #tpu.memory_space<vmem>>, vector<16xf32>,
      tpu.vector_store %arg18[%swap3A_139, %swap3A_140], %gather3A_137 {strides = array<i32>} : memref<16x640xf32, #tpu.memory_space<vmem>>, vector<16xf32>,
      %add3A_142 = arith.constant 4 : i32
      %add3A_143 = vector.broadcast %add3A_142 : i32 to vector<16xi32>
      %add3A_144 = arith.addi %mul3A_111, %add3A_143 : vector<16xi32>
      %gather3A_145 = tpu.vector_load_idx %arg17[%add3A_144] : memref<16000xf32, #tpu.memory_space<vmem>>[vector<16xi32>], vector<16xf32>,
      %swap3A_146 = arith.constant 4 : i32
      %swap3A_147 = arith.index_cast %swap3A_146 : i32 to index
      %swap3A_148 = arith.index_cast %multiple_of3A : i32 to index
      %swap3A_149 = tpu.vector_load %arg18[%swap3A_147, %swap3A_148] {strides = array<i32>} : memref<16x640xf32, #tpu.memory_space<vmem>>, vector<16xf32>,
      tpu.vector_store %arg18[%swap3A_147, %swap3A_148], %gather3A_145 {strides = array<i32>} : memref<16x640xf32, #tpu.memory_space<vmem>>, vector<16xf32>,
      %add3A_150 = arith.constant 5 : i32
      %add3A_151 = vector.broadcast %add3A_150 : i32 to vector<16xi32>
      %add3A_152 = arith.addi %mul3A_111, %add3A_151 : vector<16xi32>
      %gather3A_153 = tpu.vector_load_idx %arg17[%add3A_152] : memref<16000xf32, #tpu.memory_space<vmem>>[vector<16xi32>], vector<16xf32>,
      %swap3A_154 = arith.constant 5 : i32
      %swap3A_155 = arith.index_cast %swap3A_154 : i32 to index
      %swap3A_156 = arith.index_cast %multiple_of3A : i32 to index
      %swap3A_157 = tpu.vector_load %arg18[%swap3A_155, %swap3A_156] {strides = array<i32>} : memref<16x640xf32, #tpu.memory_space<vmem>>, vector<16xf32>,
      tpu.vector_store %arg18[%swap3A_155, %swap3A_156], %gather3A_153 {strides = array<i32>} : memref<16x640xf32, #tpu.memory_space<vmem>>, vector<16xf32>,
      %add3A_158 = arith.constant 6 : i32
      %add3A_159 = vector.broadcast %add3A_158 : i32 to vector<16xi32>
      %add3A_160 = arith.addi %mul3A_111, %add3A_159 : vector<16xi32>
      %gather3A_161 = tpu.vector_load_idx %arg17[%add3A_160] : memref<16000xf32, #tpu.memory_space<vmem>>[vector<16xi32>], vector<16xf32>,
      %swap3A_162 = arith.constant 6 : i32
      %swap3A_163 = arith.index_cast %swap3A_162 : i32 to index
      %swap3A_164 = arith.index_cast %multiple_of3A : i32 to index
      %swap3A_165 = tpu.vector_load %arg18[%swap3A_163, %swap3A_164] {strides = array<i32>} : memref<16x640xf32, #tpu.memory_space<vmem>>, vector<16xf32>,
      tpu.vector_store %arg18[%swap3A_163, %swap3A_164], %gather3A_161 {strides = array<i32>} : memref<16x640xf32, #tpu.memory_space<vmem>>, vector<16xf32>,
      %add3A_166 = arith.constant 7 : i32
      %add3A_167 = vector.broadcast %add3A_166 : i32 to vector<16xi32>
      %add3A_168 = arith.addi %mul3A_111, %add3A_167 : vector<16xi32>
      %gather3A_169 = tpu.vector_load_idx %arg17[%add3A_168] : memref<16000xf32, #tpu.memory_space<vmem>>[vector<16xi32>], vector<16xf32>,
      %swap3A_170 = arith.constant 7 : i32
      %swap3A_171 = arith.index_cast %swap3A_170 : i32 to index
      %swap3A_172 = arith.index_cast %multiple_of3A : i32 to index
      %swap3A_173 = tpu.vector_load %arg18[%swap3A_171, %swap3A_172] {strides = array<i32>} : memref<16x640xf32, #tpu.memory_space<vmem>>, vector<16xf32>,
      tpu.vector_store %arg18[%swap3A_171, %swap3A_172], %gather3A_169 {strides = array<i32>} : memref<16x640xf32, #tpu.memory_space<vmem>>, vector<16xf32>,
      %add3A_174 = arith.constant 8 : i32
      %add3A_175 = vector.broadcast %add3A_174 : i32 to vector<16xi32>
      %add3A_176 = arith.addi %mul3A_111, %add3A_175 : vector<16xi32>
      %gather3A_177 = tpu.vector_load_idx %arg17[%add3A_176] : memref<16000xf32, #tpu.memory_space<vmem>>[vector<16xi32>], vector<16xf32>,
      %swap3A_178 = arith.constant 8 : i32
      %swap3A_179 = arith.index_cast %swap3A_178 : i32 to index
      %swap3A_180 = arith.index_cast %multiple_of3A : i32 to index
      %swap3A_181 = tpu.vector_load %arg18[%swap3A_179, %swap3A_180] {strides = array<i32>} : memref<16x640xf32, #tpu.memory_space<vmem>>, vector<16xf32>,
      tpu.vector_store %arg18[%swap3A_179, %swap3A_180], %gather3A_177 {strides = array<i32>} : memref<16x640xf32, #tpu.memory_space<vmem>>, vector<16xf32>,
      %add3A_182 = arith.constant 9 : i32
      %add3A_183 = vector.broadcast %add3A_182 : i32 to vector<16xi32>
      %add3A_184 = arith.addi %mul3A_111, %add3A_183 : vector<16xi32>
      %gather3A_185 = tpu.vector_load_idx %arg17[%add3A_184] : memref<16000xf32, #tpu.memory_space<vmem>>[vector<16xi32>], vector<16xf32>,
      %swap3A_186 = arith.constant 9 : i32
      %swap3A_187 = arith.index_cast %swap3A_186 : i32 to index
      %swap3A_188 = arith.index_cast %multiple_of3A : i32 to index
      %swap3A_189 = tpu.vector_load %arg18[%swap3A_187, %swap3A_188] {strides = array<i32>} : memref<16x640xf32, #tpu.memory_space<vmem>>, vector<16xf32>,
      tpu.vector_store %arg18[%swap3A_187, %swap3A_188], %gather3A_185 {strides = array<i32>} : memref<16x640xf32, #tpu.memory_space<vmem>>, vector<16xf32>,
      %add3A_190 = arith.constant 10 : i32
      %add3A_191 = vector.broadcast %add3A_190 : i32 to vector<16xi32>
      %add3A_192 = arith.addi %mul3A_111, %add3A_191 : vector<16xi32>
      %gather3A_193 = tpu.vector_load_idx %arg17[%add3A_192] : memref<16000xf32, #tpu.memory_space<vmem>>[vector<16xi32>], vector<16xf32>,
      %swap3A_194 = arith.constant 10 : i32
      %swap3A_195 = arith.index_cast %swap3A_194 : i32 to index
      %swap3A_196 = arith.index_cast %multiple_of3A : i32 to index
      %swap3A_197 = tpu.vector_load %arg18[%swap3A_195, %swap3A_196] {strides = array<i32>} : memref<16x640xf32, #tpu.memory_space<vmem>>, vector<16xf32>,
      tpu.vector_store %arg18[%swap3A_195, %swap3A_196], %gather3A_193 {strides = array<i32>} : memref<16x640xf32, #tpu.memory_space<vmem>>, vector<16xf32>,
      %add3A_198 = arith.constant 11 : i32
      %add3A_199 = vector.broadcast %add3A_198 : i32 to vector<16xi32>
      %add3A_200 = arith.addi %mul3A_111, %add3A_199 : vector<16xi32>
      %gather3A_201 = tpu.vector_load_idx %arg17[%add3A_200] : memref<16000xf32, #tpu.memory_space<vmem>>[vector<16xi32>], vector<16xf32>,
      %swap3A_202 = arith.constant 11 : i32
      %swap3A_203 = arith.index_cast %swap3A_202 : i32 to index
      %swap3A_204 = arith.index_cast %multiple_of3A : i32 to index
      %swap3A_205 = tpu.vector_load %arg18[%swap3A_203, %swap3A_204] {strides = array<i32>} : memref<16x640xf32, #tpu.memory_space<vmem>>, vector<16xf32>,
      tpu.vector_store %arg18[%swap3A_203, %swap3A_204], %gather3A_201 {strides = array<i32>} : memref<16x640xf32, #tpu.memory_space<vmem>>, vector<16xf32>,
      %add3A_206 = arith.constant 12 : i32
      %add3A_207 = vector.broadcast %add3A_206 : i32 to vector<16xi32>
      %add3A_208 = arith.addi %mul3A_111, %add3A_207 : vector<16xi32>
      %gather3A_209 = tpu.vector_load_idx %arg17[%add3A_208] : memref<16000xf32, #tpu.memory_space<vmem>>[vector<16xi32>], vector<16xf32>,
      %swap3A_210 = arith.constant 12 : i32
      %swap3A_211 = arith.index_cast %swap3A_210 : i32 to index
      %swap3A_212 = arith.index_cast %multiple_of3A : i32 to index
      %swap3A_213 = tpu.vector_load %arg18[%swap3A_211, %swap3A_212] {strides = array<i32>} : memref<16x640xf32, #tpu.memory_space<vmem>>, vector<16xf32>,
      tpu.vector_store %arg18[%swap3A_211, %swap3A_212], %gather3A_209 {strides = array<i32>} : memref<16x640xf32, #tpu.memory_space<vmem>>, vector<16xf32>,
      %add3A_214 = arith.constant 13 : i32
      %add3A_215 = vector.broadcast %add3A_214 : i32 to vector<16xi32>
      %add3A_216 = arith.addi %mul3A_111, %add3A_215 : vector<16xi32>
      %gather3A_217 = tpu.vector_load_idx %arg17[%add3A_216] : memref<16000xf32, #tpu.memory_space<vmem>>[vector<16xi32>], vector<16xf32>,
      %swap3A_218 = arith.constant 13 : i32
      %swap3A_219 = arith.index_cast %swap3A_218 : i32 to index
      %swap3A_220 = arith.index_cast %multiple_of3A : i32 to index
      %swap3A_221 = tpu.vector_load %arg18[%swap3A_219, %swap3A_220] {strides = array<i32>} : memref<16x640xf32, #tpu.memory_space<vmem>>, vector<16xf32>,
      tpu.vector_store %arg18[%swap3A_219, %swap3A_220], %gather3A_217 {strides = array<i32>} : memref<16x640xf32, #tpu.memory_space<vmem>>, vector<16xf32>,
      %add3A_222 = arith.constant 14 : i32
      %add3A_223 = vector.broadcast %add3A_222 : i32 to vector<16xi32>
      %add3A_224 = arith.addi %mul3A_111, %add3A_223 : vector<16xi32>
      %gather3A_225 = tpu.vector_load_idx %arg17[%add3A_224] : memref<16000xf32, #tpu.memory_space<vmem>>[vector<16xi32>], vector<16xf32>,
      %swap3A_226 = arith.constant 14 : i32
      %swap3A_227 = arith.index_cast %swap3A_226 : i32 to index
      %swap3A_228 = arith.index_cast %multiple_of3A : i32 to index
      %swap3A_229 = tpu.vector_load %arg18[%swap3A_227, %swap3A_228] {strides = array<i32>} : memref<16x640xf32, #tpu.memory_space<vmem>>, vector<16xf32>,
      tpu.vector_store %arg18[%swap3A_227, %swap3A_228], %gather3A_225 {strides = array<i32>} : memref<16x640xf32, #tpu.memory_space<vmem>>, vector<16xf32>,
      %add3A_230 = arith.constant 15 : i32
      %add3A_231 = vector.broadcast %add3A_230 : i32 to vector<16xi32>
      %add3A_232 = arith.addi %mul3A_111, %add3A_231 : vector<16xi32>
      %gather3A_233 = tpu.vector_load_idx %arg17[%add3A_232] : memref<16000xf32, #tpu.memory_space<vmem>>[vector<16xi32>], vector<16xf32>,
      %swap3A_234 = arith.constant 15 : i32
      %swap3A_235 = arith.index_cast %swap3A_234 : i32 to index
      %swap3A_236 = arith.index_cast %multiple_of3A : i32 to index
      %swap3A_237 = tpu.vector_load %arg18[%swap3A_235, %swap3A_236] {strides = array<i32>} : memref<16x640xf32, #tpu.memory_space<vmem>>, vector<16xf32>,
      tpu.vector_store %arg18[%swap3A_235, %swap3A_236], %gather3A_233 {strides = array<i32>} : memref<16x640xf32, #tpu.memory_space<vmem>>, vector<16xf32>,
    }
    %scan3A_45 = arith.constant 40 : i32
    "tpu.region"() ({
      %run_scoped3A = tpu.sem_alloc : memref<!tpu.dma_semaphore, #tpu.memory_space<semaphore_mem>>
      %dma_start3A_105 = arith.constant 0 : i32
      %dma_start3A_106 = tpu.memref_slice %arg11[%dma_start3A_105, %mul3A_2] : memref<16x20480xf32, #tpu.memory_space<hbm>> -> memref<16x640xf32, #tpu.memory_space<hbm>>
      %dma_start3A_107 = arith.constant 0 : i32
      %dma_start3A_108 = tpu.memref_slice %arg11[%dma_start3A_107, %mul3A_2] : memref<16x20480xf32, #tpu.memory_space<hbm>> -> memref<16x640xf32, #tpu.memory_space<hbm>>
      tpu.enqueue_dma source(%arg18 : memref<16x640xf32, #tpu.memory_space<vmem>>) target(%dma_start3A_108 : memref<16x640xf32, #tpu.memory_space<hbm>>) target_semaphore(%run_scoped3A : memref<!tpu.dma_semaphore, #tpu.memory_space<semaphore_mem>>)
      %dma_wait3A_109 = arith.constant 0 : i32
      %dma_wait3A_110 = tpu.memref_slice %arg11[%dma_wait3A_109, %mul3A_2] : memref<16x20480xf32, #tpu.memory_space<hbm>> -> memref<16x640xf32, #tpu.memory_space<hbm>>
      %dma_wait3A_111 = arith.constant 0 : i32
      %dma_wait3A_112 = tpu.memref_slice %arg11[%dma_wait3A_111, %mul3A_2] : memref<16x20480xf32, #tpu.memory_space<hbm>> -> memref<16x640xf32, #tpu.memory_space<hbm>>
      tpu.wait_dma2 semaphore(%run_scoped3A : memref<!tpu.dma_semaphore, #tpu.memory_space<semaphore_mem>>) src(%arg18 : memref<16x640xf32, #tpu.memory_space<vmem>>) dst(%dma_wait3A_112 : memref<16x640xf32, #tpu.memory_space<hbm>>)
      tpu.yield
    }) : () -> ()
    "tpu.region"() ({
      %run_scoped3A = tpu.sem_alloc : memref<!tpu.dma_semaphore, #tpu.memory_space<semaphore_mem>>
      tpu.enqueue_dma source(%arg4 : memref<16000xf32, #tpu.memory_space<hbm>>) target(%arg17 : memref<16000xf32, #tpu.memory_space<vmem>>) target_semaphore(%run_scoped3A : memref<!tpu.dma_semaphore, #tpu.memory_space<semaphore_mem>>)
      tpu.wait_dma2 semaphore(%run_scoped3A : memref<!tpu.dma_semaphore, #tpu.memory_space<semaphore_mem>>) src(%arg4 : memref<16000xf32, #tpu.memory_space<hbm>>) dst(%arg17 : memref<16000xf32, #tpu.memory_space<vmem>>)
      tpu.yield
    }) : () -> ()
    "tpu.region"() ({
      %run_scoped3A = tpu.sem_alloc : memref<!tpu.dma_semaphore, #tpu.memory_space<semaphore_mem>>
      %dma_start3A_105 = tpu.memref_slice %arg8[%mul3A_2] : memref<20480xi32, #tpu.memory_space<hbm>> -> memref<640xi32, #tpu.memory_space<hbm>>
      %dma_start3A_106 = tpu.memref_slice %arg8[%mul3A_2] : memref<20480xi32, #tpu.memory_space<hbm>> -> memref<640xi32, #tpu.memory_space<hbm>>
      tpu.enqueue_dma source(%dma_start3A_106 : memref<640xi32, #tpu.memory_space<hbm>>) target(%arg15 : memref<640xi32, #tpu.memory_space<vmem>>) target_semaphore(%run_scoped3A : memref<!tpu.dma_semaphore, #tpu.memory_space<semaphore_mem>>)
      %dma_wait3A_107 = tpu.memref_slice %arg8[%mul3A_2] : memref<20480xi32, #tpu.memory_space<hbm>> -> memref<640xi32, #tpu.memory_space<hbm>>
      %dma_wait3A_108 = tpu.memref_slice %arg8[%mul3A_2] : memref<20480xi32, #tpu.memory_space<hbm>> -> memref<640xi32, #tpu.memory_space<hbm>>
      tpu.wait_dma2 semaphore(%run_scoped3A : memref<!tpu.dma_semaphore, #tpu.memory_space<semaphore_mem>>) src(%dma_wait3A_108 : memref<640xi32, #tpu.memory_space<hbm>>) dst(%arg15 : memref<640xi32, #tpu.memory_space<vmem>>)
      tpu.yield
    }) : () -> ()
    %scan3A_46 = arith.constant 0 : i32
    %scan3A_47 = arith.constant 40 : i32
    %scan3A_48 = arith.addi %scan3A_46, %scan3A_47 : i32
    %scan3A_49 = arith.constant 1 : i32
    scf.for %scan3A_105 = %scan3A_46 to %scan3A_48 step %scan3A_49  : i32 {
      %mul3A_106 = arith.constant 16 : i32
      %mul3A_107 = arith.muli %scan3A_105, %mul3A_106 : i32
      %multiple_of3A = tpu.assume_multiple %mul3A_107, 16 : i32
      %get3A = arith.index_cast %multiple_of3A : i32 to index
      %get3A_108 = tpu.vector_load %arg15[%get3A] {strides = array<i32>} : memref<640xi32, #tpu.memory_space<vmem>>, vector<16xi32>,
      %mul3A_109 = arith.constant 16 : i32
      %mul3A_110 = vector.broadcast %mul3A_109 : i32 to vector<16xi32>
      %mul3A_111 = arith.muli %get3A_108, %mul3A_110 : vector<16xi32>
      %add3A_112 = arith.constant 0 : i32
      %add3A_113 = vector.broadcast %add3A_112 : i32 to vector<16xi32>
      %add3A_114 = arith.addi %mul3A_111, %add3A_113 : vector<16xi32>
      %gather3A = tpu.vector_load_idx %arg17[%add3A_114] : memref<16000xf32, #tpu.memory_space<vmem>>[vector<16xi32>], vector<16xf32>,
      %swap3A = arith.constant 0 : i32
      %swap3A_115 = arith.index_cast %swap3A : i32 to index
      %swap3A_116 = arith.index_cast %multiple_of3A : i32 to index
      %swap3A_117 = tpu.vector_load %arg18[%swap3A_115, %swap3A_116] {strides = array<i32>} : memref<16x640xf32, #tpu.memory_space<vmem>>, vector<16xf32>,
      tpu.vector_store %arg18[%swap3A_115, %swap3A_116], %gather3A {strides = array<i32>} : memref<16x640xf32, #tpu.memory_space<vmem>>, vector<16xf32>,
      %add3A_118 = arith.constant 1 : i32
      %add3A_119 = vector.broadcast %add3A_118 : i32 to vector<16xi32>
      %add3A_120 = arith.addi %mul3A_111, %add3A_119 : vector<16xi32>
      %gather3A_121 = tpu.vector_load_idx %arg17[%add3A_120] : memref<16000xf32, #tpu.memory_space<vmem>>[vector<16xi32>], vector<16xf32>,
      %swap3A_122 = arith.constant 1 : i32
      %swap3A_123 = arith.index_cast %swap3A_122 : i32 to index
      %swap3A_124 = arith.index_cast %multiple_of3A : i32 to index
      %swap3A_125 = tpu.vector_load %arg18[%swap3A_123, %swap3A_124] {strides = array<i32>} : memref<16x640xf32, #tpu.memory_space<vmem>>, vector<16xf32>,
      tpu.vector_store %arg18[%swap3A_123, %swap3A_124], %gather3A_121 {strides = array<i32>} : memref<16x640xf32, #tpu.memory_space<vmem>>, vector<16xf32>,
      %add3A_126 = arith.constant 2 : i32
      %add3A_127 = vector.broadcast %add3A_126 : i32 to vector<16xi32>
      %add3A_128 = arith.addi %mul3A_111, %add3A_127 : vector<16xi32>
      %gather3A_129 = tpu.vector_load_idx %arg17[%add3A_128] : memref<16000xf32, #tpu.memory_space<vmem>>[vector<16xi32>], vector<16xf32>,
      %swap3A_130 = arith.constant 2 : i32
      %swap3A_131 = arith.index_cast %swap3A_130 : i32 to index
      %swap3A_132 = arith.index_cast %multiple_of3A : i32 to index
      %swap3A_133 = tpu.vector_load %arg18[%swap3A_131, %swap3A_132] {strides = array<i32>} : memref<16x640xf32, #tpu.memory_space<vmem>>, vector<16xf32>,
      tpu.vector_store %arg18[%swap3A_131, %swap3A_132], %gather3A_129 {strides = array<i32>} : memref<16x640xf32, #tpu.memory_space<vmem>>, vector<16xf32>,
      %add3A_134 = arith.constant 3 : i32
      %add3A_135 = vector.broadcast %add3A_134 : i32 to vector<16xi32>
      %add3A_136 = arith.addi %mul3A_111, %add3A_135 : vector<16xi32>
      %gather3A_137 = tpu.vector_load_idx %arg17[%add3A_136] : memref<16000xf32, #tpu.memory_space<vmem>>[vector<16xi32>], vector<16xf32>,
      %swap3A_138 = arith.constant 3 : i32
      %swap3A_139 = arith.index_cast %swap3A_138 : i32 to index
      %swap3A_140 = arith.index_cast %multiple_of3A : i32 to index
      %swap3A_141 = tpu.vector_load %arg18[%swap3A_139, %swap3A_140] {strides = array<i32>} : memref<16x640xf32, #tpu.memory_space<vmem>>, vector<16xf32>,
      tpu.vector_store %arg18[%swap3A_139, %swap3A_140], %gather3A_137 {strides = array<i32>} : memref<16x640xf32, #tpu.memory_space<vmem>>, vector<16xf32>,
      %add3A_142 = arith.constant 4 : i32
      %add3A_143 = vector.broadcast %add3A_142 : i32 to vector<16xi32>
      %add3A_144 = arith.addi %mul3A_111, %add3A_143 : vector<16xi32>
      %gather3A_145 = tpu.vector_load_idx %arg17[%add3A_144] : memref<16000xf32, #tpu.memory_space<vmem>>[vector<16xi32>], vector<16xf32>,
      %swap3A_146 = arith.constant 4 : i32
      %swap3A_147 = arith.index_cast %swap3A_146 : i32 to index
      %swap3A_148 = arith.index_cast %multiple_of3A : i32 to index
      %swap3A_149 = tpu.vector_load %arg18[%swap3A_147, %swap3A_148] {strides = array<i32>} : memref<16x640xf32, #tpu.memory_space<vmem>>, vector<16xf32>,
      tpu.vector_store %arg18[%swap3A_147, %swap3A_148], %gather3A_145 {strides = array<i32>} : memref<16x640xf32, #tpu.memory_space<vmem>>, vector<16xf32>,
      %add3A_150 = arith.constant 5 : i32
      %add3A_151 = vector.broadcast %add3A_150 : i32 to vector<16xi32>
      %add3A_152 = arith.addi %mul3A_111, %add3A_151 : vector<16xi32>
      %gather3A_153 = tpu.vector_load_idx %arg17[%add3A_152] : memref<16000xf32, #tpu.memory_space<vmem>>[vector<16xi32>], vector<16xf32>,
      %swap3A_154 = arith.constant 5 : i32
      %swap3A_155 = arith.index_cast %swap3A_154 : i32 to index
      %swap3A_156 = arith.index_cast %multiple_of3A : i32 to index
      %swap3A_157 = tpu.vector_load %arg18[%swap3A_155, %swap3A_156] {strides = array<i32>} : memref<16x640xf32, #tpu.memory_space<vmem>>, vector<16xf32>,
      tpu.vector_store %arg18[%swap3A_155, %swap3A_156], %gather3A_153 {strides = array<i32>} : memref<16x640xf32, #tpu.memory_space<vmem>>, vector<16xf32>,
      %add3A_158 = arith.constant 6 : i32
      %add3A_159 = vector.broadcast %add3A_158 : i32 to vector<16xi32>
      %add3A_160 = arith.addi %mul3A_111, %add3A_159 : vector<16xi32>
      %gather3A_161 = tpu.vector_load_idx %arg17[%add3A_160] : memref<16000xf32, #tpu.memory_space<vmem>>[vector<16xi32>], vector<16xf32>,
      %swap3A_162 = arith.constant 6 : i32
      %swap3A_163 = arith.index_cast %swap3A_162 : i32 to index
      %swap3A_164 = arith.index_cast %multiple_of3A : i32 to index
      %swap3A_165 = tpu.vector_load %arg18[%swap3A_163, %swap3A_164] {strides = array<i32>} : memref<16x640xf32, #tpu.memory_space<vmem>>, vector<16xf32>,
      tpu.vector_store %arg18[%swap3A_163, %swap3A_164], %gather3A_161 {strides = array<i32>} : memref<16x640xf32, #tpu.memory_space<vmem>>, vector<16xf32>,
      %add3A_166 = arith.constant 7 : i32
      %add3A_167 = vector.broadcast %add3A_166 : i32 to vector<16xi32>
      %add3A_168 = arith.addi %mul3A_111, %add3A_167 : vector<16xi32>
      %gather3A_169 = tpu.vector_load_idx %arg17[%add3A_168] : memref<16000xf32, #tpu.memory_space<vmem>>[vector<16xi32>], vector<16xf32>,
      %swap3A_170 = arith.constant 7 : i32
      %swap3A_171 = arith.index_cast %swap3A_170 : i32 to index
      %swap3A_172 = arith.index_cast %multiple_of3A : i32 to index
      %swap3A_173 = tpu.vector_load %arg18[%swap3A_171, %swap3A_172] {strides = array<i32>} : memref<16x640xf32, #tpu.memory_space<vmem>>, vector<16xf32>,
      tpu.vector_store %arg18[%swap3A_171, %swap3A_172], %gather3A_169 {strides = array<i32>} : memref<16x640xf32, #tpu.memory_space<vmem>>, vector<16xf32>,
      %add3A_174 = arith.constant 8 : i32
      %add3A_175 = vector.broadcast %add3A_174 : i32 to vector<16xi32>
      %add3A_176 = arith.addi %mul3A_111, %add3A_175 : vector<16xi32>
      %gather3A_177 = tpu.vector_load_idx %arg17[%add3A_176] : memref<16000xf32, #tpu.memory_space<vmem>>[vector<16xi32>], vector<16xf32>,
      %swap3A_178 = arith.constant 8 : i32
      %swap3A_179 = arith.index_cast %swap3A_178 : i32 to index
      %swap3A_180 = arith.index_cast %multiple_of3A : i32 to index
      %swap3A_181 = tpu.vector_load %arg18[%swap3A_179, %swap3A_180] {strides = array<i32>} : memref<16x640xf32, #tpu.memory_space<vmem>>, vector<16xf32>,
      tpu.vector_store %arg18[%swap3A_179, %swap3A_180], %gather3A_177 {strides = array<i32>} : memref<16x640xf32, #tpu.memory_space<vmem>>, vector<16xf32>,
      %add3A_182 = arith.constant 9 : i32
      %add3A_183 = vector.broadcast %add3A_182 : i32 to vector<16xi32>
      %add3A_184 = arith.addi %mul3A_111, %add3A_183 : vector<16xi32>
      %gather3A_185 = tpu.vector_load_idx %arg17[%add3A_184] : memref<16000xf32, #tpu.memory_space<vmem>>[vector<16xi32>], vector<16xf32>,
      %swap3A_186 = arith.constant 9 : i32
      %swap3A_187 = arith.index_cast %swap3A_186 : i32 to index
      %swap3A_188 = arith.index_cast %multiple_of3A : i32 to index
      %swap3A_189 = tpu.vector_load %arg18[%swap3A_187, %swap3A_188] {strides = array<i32>} : memref<16x640xf32, #tpu.memory_space<vmem>>, vector<16xf32>,
      tpu.vector_store %arg18[%swap3A_187, %swap3A_188], %gather3A_185 {strides = array<i32>} : memref<16x640xf32, #tpu.memory_space<vmem>>, vector<16xf32>,
      %add3A_190 = arith.constant 10 : i32
      %add3A_191 = vector.broadcast %add3A_190 : i32 to vector<16xi32>
      %add3A_192 = arith.addi %mul3A_111, %add3A_191 : vector<16xi32>
      %gather3A_193 = tpu.vector_load_idx %arg17[%add3A_192] : memref<16000xf32, #tpu.memory_space<vmem>>[vector<16xi32>], vector<16xf32>,
      %swap3A_194 = arith.constant 10 : i32
      %swap3A_195 = arith.index_cast %swap3A_194 : i32 to index
      %swap3A_196 = arith.index_cast %multiple_of3A : i32 to index
      %swap3A_197 = tpu.vector_load %arg18[%swap3A_195, %swap3A_196] {strides = array<i32>} : memref<16x640xf32, #tpu.memory_space<vmem>>, vector<16xf32>,
      tpu.vector_store %arg18[%swap3A_195, %swap3A_196], %gather3A_193 {strides = array<i32>} : memref<16x640xf32, #tpu.memory_space<vmem>>, vector<16xf32>,
      %add3A_198 = arith.constant 11 : i32
      %add3A_199 = vector.broadcast %add3A_198 : i32 to vector<16xi32>
      %add3A_200 = arith.addi %mul3A_111, %add3A_199 : vector<16xi32>
      %gather3A_201 = tpu.vector_load_idx %arg17[%add3A_200] : memref<16000xf32, #tpu.memory_space<vmem>>[vector<16xi32>], vector<16xf32>,
      %swap3A_202 = arith.constant 11 : i32
      %swap3A_203 = arith.index_cast %swap3A_202 : i32 to index
      %swap3A_204 = arith.index_cast %multiple_of3A : i32 to index
      %swap3A_205 = tpu.vector_load %arg18[%swap3A_203, %swap3A_204] {strides = array<i32>} : memref<16x640xf32, #tpu.memory_space<vmem>>, vector<16xf32>,
      tpu.vector_store %arg18[%swap3A_203, %swap3A_204], %gather3A_201 {strides = array<i32>} : memref<16x640xf32, #tpu.memory_space<vmem>>, vector<16xf32>,
      %add3A_206 = arith.constant 12 : i32
      %add3A_207 = vector.broadcast %add3A_206 : i32 to vector<16xi32>
      %add3A_208 = arith.addi %mul3A_111, %add3A_207 : vector<16xi32>
      %gather3A_209 = tpu.vector_load_idx %arg17[%add3A_208] : memref<16000xf32, #tpu.memory_space<vmem>>[vector<16xi32>], vector<16xf32>,
      %swap3A_210 = arith.constant 12 : i32
      %swap3A_211 = arith.index_cast %swap3A_210 : i32 to index
      %swap3A_212 = arith.index_cast %multiple_of3A : i32 to index
      %swap3A_213 = tpu.vector_load %arg18[%swap3A_211, %swap3A_212] {strides = array<i32>} : memref<16x640xf32, #tpu.memory_space<vmem>>, vector<16xf32>,
      tpu.vector_store %arg18[%swap3A_211, %swap3A_212], %gather3A_209 {strides = array<i32>} : memref<16x640xf32, #tpu.memory_space<vmem>>, vector<16xf32>,
      %add3A_214 = arith.constant 13 : i32
      %add3A_215 = vector.broadcast %add3A_214 : i32 to vector<16xi32>
      %add3A_216 = arith.addi %mul3A_111, %add3A_215 : vector<16xi32>
      %gather3A_217 = tpu.vector_load_idx %arg17[%add3A_216] : memref<16000xf32, #tpu.memory_space<vmem>>[vector<16xi32>], vector<16xf32>,
      %swap3A_218 = arith.constant 13 : i32
      %swap3A_219 = arith.index_cast %swap3A_218 : i32 to index
      %swap3A_220 = arith.index_cast %multiple_of3A : i32 to index
      %swap3A_221 = tpu.vector_load %arg18[%swap3A_219, %swap3A_220] {strides = array<i32>} : memref<16x640xf32, #tpu.memory_space<vmem>>, vector<16xf32>,
      tpu.vector_store %arg18[%swap3A_219, %swap3A_220], %gather3A_217 {strides = array<i32>} : memref<16x640xf32, #tpu.memory_space<vmem>>, vector<16xf32>,
      %add3A_222 = arith.constant 14 : i32
      %add3A_223 = vector.broadcast %add3A_222 : i32 to vector<16xi32>
      %add3A_224 = arith.addi %mul3A_111, %add3A_223 : vector<16xi32>
      %gather3A_225 = tpu.vector_load_idx %arg17[%add3A_224] : memref<16000xf32, #tpu.memory_space<vmem>>[vector<16xi32>], vector<16xf32>,
      %swap3A_226 = arith.constant 14 : i32
      %swap3A_227 = arith.index_cast %swap3A_226 : i32 to index
      %swap3A_228 = arith.index_cast %multiple_of3A : i32 to index
      %swap3A_229 = tpu.vector_load %arg18[%swap3A_227, %swap3A_228] {strides = array<i32>} : memref<16x640xf32, #tpu.memory_space<vmem>>, vector<16xf32>,
      tpu.vector_store %arg18[%swap3A_227, %swap3A_228], %gather3A_225 {strides = array<i32>} : memref<16x640xf32, #tpu.memory_space<vmem>>, vector<16xf32>,
      %add3A_230 = arith.constant 15 : i32
      %add3A_231 = vector.broadcast %add3A_230 : i32 to vector<16xi32>
      %add3A_232 = arith.addi %mul3A_111, %add3A_231 : vector<16xi32>
      %gather3A_233 = tpu.vector_load_idx %arg17[%add3A_232] : memref<16000xf32, #tpu.memory_space<vmem>>[vector<16xi32>], vector<16xf32>,
      %swap3A_234 = arith.constant 15 : i32
      %swap3A_235 = arith.index_cast %swap3A_234 : i32 to index
      %swap3A_236 = arith.index_cast %multiple_of3A : i32 to index
      %swap3A_237 = tpu.vector_load %arg18[%swap3A_235, %swap3A_236] {strides = array<i32>} : memref<16x640xf32, #tpu.memory_space<vmem>>, vector<16xf32>,
      tpu.vector_store %arg18[%swap3A_235, %swap3A_236], %gather3A_233 {strides = array<i32>} : memref<16x640xf32, #tpu.memory_space<vmem>>, vector<16xf32>,
    }
    %scan3A_50 = arith.constant 40 : i32
    "tpu.region"() ({
      %run_scoped3A = tpu.sem_alloc : memref<!tpu.dma_semaphore, #tpu.memory_space<semaphore_mem>>
      %dma_start3A_105 = arith.constant 0 : i32
      %dma_start3A_106 = tpu.memref_slice %arg12[%dma_start3A_105, %mul3A_2] : memref<16x20480xf32, #tpu.memory_space<hbm>> -> memref<16x640xf32, #tpu.memory_space<hbm>>
      %dma_start3A_107 = arith.constant 0 : i32
      %dma_start3A_108 = tpu.memref_slice %arg12[%dma_start3A_107, %mul3A_2] : memref<16x20480xf32, #tpu.memory_space<hbm>> -> memref<16x640xf32, #tpu.memory_space<hbm>>
      tpu.enqueue_dma source(%arg18 : memref<16x640xf32, #tpu.memory_space<vmem>>) target(%dma_start3A_108 : memref<16x640xf32, #tpu.memory_space<hbm>>) target_semaphore(%run_scoped3A : memref<!tpu.dma_semaphore, #tpu.memory_space<semaphore_mem>>)
      %dma_wait3A_109 = arith.constant 0 : i32
      %dma_wait3A_110 = tpu.memref_slice %arg12[%dma_wait3A_109, %mul3A_2] : memref<16x20480xf32, #tpu.memory_space<hbm>> -> memref<16x640xf32, #tpu.memory_space<hbm>>
      %dma_wait3A_111 = arith.constant 0 : i32
      %dma_wait3A_112 = tpu.memref_slice %arg12[%dma_wait3A_111, %mul3A_2] : memref<16x20480xf32, #tpu.memory_space<hbm>> -> memref<16x640xf32, #tpu.memory_space<hbm>>
      tpu.wait_dma2 semaphore(%run_scoped3A : memref<!tpu.dma_semaphore, #tpu.memory_space<semaphore_mem>>) src(%arg18 : memref<16x640xf32, #tpu.memory_space<vmem>>) dst(%dma_wait3A_112 : memref<16x640xf32, #tpu.memory_space<hbm>>)
      tpu.yield
    }) : () -> ()
    "tpu.region"() ({
      %run_scoped3A = tpu.sem_alloc : memref<!tpu.dma_semaphore, #tpu.memory_space<semaphore_mem>>
      tpu.enqueue_dma source(%arg5 : memref<16000xf32, #tpu.memory_space<hbm>>) target(%arg17 : memref<16000xf32, #tpu.memory_space<vmem>>) target_semaphore(%run_scoped3A : memref<!tpu.dma_semaphore, #tpu.memory_space<semaphore_mem>>)
      tpu.wait_dma2 semaphore(%run_scoped3A : memref<!tpu.dma_semaphore, #tpu.memory_space<semaphore_mem>>) src(%arg5 : memref<16000xf32, #tpu.memory_space<hbm>>) dst(%arg17 : memref<16000xf32, #tpu.memory_space<vmem>>)
      tpu.yield
    }) : () -> ()
    "tpu.region"() ({
      %run_scoped3A = tpu.sem_alloc : memref<!tpu.dma_semaphore, #tpu.memory_space<semaphore_mem>>
      %dma_start3A_105 = tpu.memref_slice %arg9[%mul3A_2] : memref<20480xi32, #tpu.memory_space<hbm>> -> memref<640xi32, #tpu.memory_space<hbm>>
      %dma_start3A_106 = tpu.memref_slice %arg9[%mul3A_2] : memref<20480xi32, #tpu.memory_space<hbm>> -> memref<640xi32, #tpu.memory_space<hbm>>
      tpu.enqueue_dma source(%dma_start3A_106 : memref<640xi32, #tpu.memory_space<hbm>>) target(%arg15 : memref<640xi32, #tpu.memory_space<vmem>>) target_semaphore(%run_scoped3A : memref<!tpu.dma_semaphore, #tpu.memory_space<semaphore_mem>>)
      %dma_wait3A_107 = tpu.memref_slice %arg9[%mul3A_2] : memref<20480xi32, #tpu.memory_space<hbm>> -> memref<640xi32, #tpu.memory_space<hbm>>
      %dma_wait3A_108 = tpu.memref_slice %arg9[%mul3A_2] : memref<20480xi32, #tpu.memory_space<hbm>> -> memref<640xi32, #tpu.memory_space<hbm>>
      tpu.wait_dma2 semaphore(%run_scoped3A : memref<!tpu.dma_semaphore, #tpu.memory_space<semaphore_mem>>) src(%dma_wait3A_108 : memref<640xi32, #tpu.memory_space<hbm>>) dst(%arg15 : memref<640xi32, #tpu.memory_space<vmem>>)
      tpu.yield
    }) : () -> ()
    %scan3A_51 = arith.constant 0 : i32
    %scan3A_52 = arith.constant 40 : i32
    %scan3A_53 = arith.addi %scan3A_51, %scan3A_52 : i32
    %scan3A_54 = arith.constant 1 : i32
    scf.for %scan3A_105 = %scan3A_51 to %scan3A_53 step %scan3A_54  : i32 {
      %mul3A_106 = arith.constant 16 : i32
      %mul3A_107 = arith.muli %scan3A_105, %mul3A_106 : i32
      %multiple_of3A = tpu.assume_multiple %mul3A_107, 16 : i32
      %get3A = arith.index_cast %multiple_of3A : i32 to index
      %get3A_108 = tpu.vector_load %arg15[%get3A] {strides = array<i32>} : memref<640xi32, #tpu.memory_space<vmem>>, vector<16xi32>,
      %mul3A_109 = arith.constant 16 : i32
      %mul3A_110 = vector.broadcast %mul3A_109 : i32 to vector<16xi32>
      %mul3A_111 = arith.muli %get3A_108, %mul3A_110 : vector<16xi32>
      %add3A_112 = arith.constant 0 : i32
      %add3A_113 = vector.broadcast %add3A_112 : i32 to vector<16xi32>
      %add3A_114 = arith.addi %mul3A_111, %add3A_113 : vector<16xi32>
      %gather3A = tpu.vector_load_idx %arg17[%add3A_114] : memref<16000xf32, #tpu.memory_space<vmem>>[vector<16xi32>], vector<16xf32>,
      %swap3A = arith.constant 0 : i32
      %swap3A_115 = arith.index_cast %swap3A : i32 to index
      %swap3A_116 = arith.index_cast %multiple_of3A : i32 to index
      %swap3A_117 = tpu.vector_load %arg18[%swap3A_115, %swap3A_116] {strides = array<i32>} : memref<16x640xf32, #tpu.memory_space<vmem>>, vector<16xf32>,
      tpu.vector_store %arg18[%swap3A_115, %swap3A_116], %gather3A {strides = array<i32>} : memref<16x640xf32, #tpu.memory_space<vmem>>, vector<16xf32>,
      %add3A_118 = arith.constant 1 : i32
      %add3A_119 = vector.broadcast %add3A_118 : i32 to vector<16xi32>
      %add3A_120 = arith.addi %mul3A_111, %add3A_119 : vector<16xi32>
      %gather3A_121 = tpu.vector_load_idx %arg17[%add3A_120] : memref<16000xf32, #tpu.memory_space<vmem>>[vector<16xi32>], vector<16xf32>,
      %swap3A_122 = arith.constant 1 : i32
      %swap3A_123 = arith.index_cast %swap3A_122 : i32 to index
      %swap3A_124 = arith.index_cast %multiple_of3A : i32 to index
      %swap3A_125 = tpu.vector_load %arg18[%swap3A_123, %swap3A_124] {strides = array<i32>} : memref<16x640xf32, #tpu.memory_space<vmem>>, vector<16xf32>,
      tpu.vector_store %arg18[%swap3A_123, %swap3A_124], %gather3A_121 {strides = array<i32>} : memref<16x640xf32, #tpu.memory_space<vmem>>, vector<16xf32>,
      %add3A_126 = arith.constant 2 : i32
      %add3A_127 = vector.broadcast %add3A_126 : i32 to vector<16xi32>
      %add3A_128 = arith.addi %mul3A_111, %add3A_127 : vector<16xi32>
      %gather3A_129 = tpu.vector_load_idx %arg17[%add3A_128] : memref<16000xf32, #tpu.memory_space<vmem>>[vector<16xi32>], vector<16xf32>,
      %swap3A_130 = arith.constant 2 : i32
      %swap3A_131 = arith.index_cast %swap3A_130 : i32 to index
      %swap3A_132 = arith.index_cast %multiple_of3A : i32 to index
      %swap3A_133 = tpu.vector_load %arg18[%swap3A_131, %swap3A_132] {strides = array<i32>} : memref<16x640xf32, #tpu.memory_space<vmem>>, vector<16xf32>,
      tpu.vector_store %arg18[%swap3A_131, %swap3A_132], %gather3A_129 {strides = array<i32>} : memref<16x640xf32, #tpu.memory_space<vmem>>, vector<16xf32>,
      %add3A_134 = arith.constant 3 : i32
      %add3A_135 = vector.broadcast %add3A_134 : i32 to vector<16xi32>
      %add3A_136 = arith.addi %mul3A_111, %add3A_135 : vector<16xi32>
      %gather3A_137 = tpu.vector_load_idx %arg17[%add3A_136] : memref<16000xf32, #tpu.memory_space<vmem>>[vector<16xi32>], vector<16xf32>,
      %swap3A_138 = arith.constant 3 : i32
      %swap3A_139 = arith.index_cast %swap3A_138 : i32 to index
      %swap3A_140 = arith.index_cast %multiple_of3A : i32 to index
      %swap3A_141 = tpu.vector_load %arg18[%swap3A_139, %swap3A_140] {strides = array<i32>} : memref<16x640xf32, #tpu.memory_space<vmem>>, vector<16xf32>,
      tpu.vector_store %arg18[%swap3A_139, %swap3A_140], %gather3A_137 {strides = array<i32>} : memref<16x640xf32, #tpu.memory_space<vmem>>, vector<16xf32>,
      %add3A_142 = arith.constant 4 : i32
      %add3A_143 = vector.broadcast %add3A_142 : i32 to vector<16xi32>
      %add3A_144 = arith.addi %mul3A_111, %add3A_143 : vector<16xi32>
      %gather3A_145 = tpu.vector_load_idx %arg17[%add3A_144] : memref<16000xf32, #tpu.memory_space<vmem>>[vector<16xi32>], vector<16xf32>,
      %swap3A_146 = arith.constant 4 : i32
      %swap3A_147 = arith.index_cast %swap3A_146 : i32 to index
      %swap3A_148 = arith.index_cast %multiple_of3A : i32 to index
      %swap3A_149 = tpu.vector_load %arg18[%swap3A_147, %swap3A_148] {strides = array<i32>} : memref<16x640xf32, #tpu.memory_space<vmem>>, vector<16xf32>,
      tpu.vector_store %arg18[%swap3A_147, %swap3A_148], %gather3A_145 {strides = array<i32>} : memref<16x640xf32, #tpu.memory_space<vmem>>, vector<16xf32>,
      %add3A_150 = arith.constant 5 : i32
      %add3A_151 = vector.broadcast %add3A_150 : i32 to vector<16xi32>
      %add3A_152 = arith.addi %mul3A_111, %add3A_151 : vector<16xi32>
      %gather3A_153 = tpu.vector_load_idx %arg17[%add3A_152] : memref<16000xf32, #tpu.memory_space<vmem>>[vector<16xi32>], vector<16xf32>,
      %swap3A_154 = arith.constant 5 : i32
      %swap3A_155 = arith.index_cast %swap3A_154 : i32 to index
      %swap3A_156 = arith.index_cast %multiple_of3A : i32 to index
      %swap3A_157 = tpu.vector_load %arg18[%swap3A_155, %swap3A_156] {strides = array<i32>} : memref<16x640xf32, #tpu.memory_space<vmem>>, vector<16xf32>,
      tpu.vector_store %arg18[%swap3A_155, %swap3A_156], %gather3A_153 {strides = array<i32>} : memref<16x640xf32, #tpu.memory_space<vmem>>, vector<16xf32>,
      %add3A_158 = arith.constant 6 : i32
      %add3A_159 = vector.broadcast %add3A_158 : i32 to vector<16xi32>
      %add3A_160 = arith.addi %mul3A_111, %add3A_159 : vector<16xi32>
      %gather3A_161 = tpu.vector_load_idx %arg17[%add3A_160] : memref<16000xf32, #tpu.memory_space<vmem>>[vector<16xi32>], vector<16xf32>,
      %swap3A_162 = arith.constant 6 : i32
      %swap3A_163 = arith.index_cast %swap3A_162 : i32 to index
      %swap3A_164 = arith.index_cast %multiple_of3A : i32 to index
      %swap3A_165 = tpu.vector_load %arg18[%swap3A_163, %swap3A_164] {strides = array<i32>} : memref<16x640xf32, #tpu.memory_space<vmem>>, vector<16xf32>,
      tpu.vector_store %arg18[%swap3A_163, %swap3A_164], %gather3A_161 {strides = array<i32>} : memref<16x640xf32, #tpu.memory_space<vmem>>, vector<16xf32>,
      %add3A_166 = arith.constant 7 : i32
      %add3A_167 = vector.broadcast %add3A_166 : i32 to vector<16xi32>
      %add3A_168 = arith.addi %mul3A_111, %add3A_167 : vector<16xi32>
      %gather3A_169 = tpu.vector_load_idx %arg17[%add3A_168] : memref<16000xf32, #tpu.memory_space<vmem>>[vector<16xi32>], vector<16xf32>,
      %swap3A_170 = arith.constant 7 : i32
      %swap3A_171 = arith.index_cast %swap3A_170 : i32 to index
      %swap3A_172 = arith.index_cast %multiple_of3A : i32 to index
      %swap3A_173 = tpu.vector_load %arg18[%swap3A_171, %swap3A_172] {strides = array<i32>} : memref<16x640xf32, #tpu.memory_space<vmem>>, vector<16xf32>,
      tpu.vector_store %arg18[%swap3A_171, %swap3A_172], %gather3A_169 {strides = array<i32>} : memref<16x640xf32, #tpu.memory_space<vmem>>, vector<16xf32>,
      %add3A_174 = arith.constant 8 : i32
      %add3A_175 = vector.broadcast %add3A_174 : i32 to vector<16xi32>
      %add3A_176 = arith.addi %mul3A_111, %add3A_175 : vector<16xi32>
      %gather3A_177 = tpu.vector_load_idx %arg17[%add3A_176] : memref<16000xf32, #tpu.memory_space<vmem>>[vector<16xi32>], vector<16xf32>,
      %swap3A_178 = arith.constant 8 : i32
      %swap3A_179 = arith.index_cast %swap3A_178 : i32 to index
      %swap3A_180 = arith.index_cast %multiple_of3A : i32 to index
      %swap3A_181 = tpu.vector_load %arg18[%swap3A_179, %swap3A_180] {strides = array<i32>} : memref<16x640xf32, #tpu.memory_space<vmem>>, vector<16xf32>,
      tpu.vector_store %arg18[%swap3A_179, %swap3A_180], %gather3A_177 {strides = array<i32>} : memref<16x640xf32, #tpu.memory_space<vmem>>, vector<16xf32>,
      %add3A_182 = arith.constant 9 : i32
      %add3A_183 = vector.broadcast %add3A_182 : i32 to vector<16xi32>
      %add3A_184 = arith.addi %mul3A_111, %add3A_183 : vector<16xi32>
      %gather3A_185 = tpu.vector_load_idx %arg17[%add3A_184] : memref<16000xf32, #tpu.memory_space<vmem>>[vector<16xi32>], vector<16xf32>,
      %swap3A_186 = arith.constant 9 : i32
      %swap3A_187 = arith.index_cast %swap3A_186 : i32 to index
      %swap3A_188 = arith.index_cast %multiple_of3A : i32 to index
      %swap3A_189 = tpu.vector_load %arg18[%swap3A_187, %swap3A_188] {strides = array<i32>} : memref<16x640xf32, #tpu.memory_space<vmem>>, vector<16xf32>,
      tpu.vector_store %arg18[%swap3A_187, %swap3A_188], %gather3A_185 {strides = array<i32>} : memref<16x640xf32, #tpu.memory_space<vmem>>, vector<16xf32>,
      %add3A_190 = arith.constant 10 : i32
      %add3A_191 = vector.broadcast %add3A_190 : i32 to vector<16xi32>
      %add3A_192 = arith.addi %mul3A_111, %add3A_191 : vector<16xi32>
      %gather3A_193 = tpu.vector_load_idx %arg17[%add3A_192] : memref<16000xf32, #tpu.memory_space<vmem>>[vector<16xi32>], vector<16xf32>,
      %swap3A_194 = arith.constant 10 : i32
      %swap3A_195 = arith.index_cast %swap3A_194 : i32 to index
      %swap3A_196 = arith.index_cast %multiple_of3A : i32 to index
      %swap3A_197 = tpu.vector_load %arg18[%swap3A_195, %swap3A_196] {strides = array<i32>} : memref<16x640xf32, #tpu.memory_space<vmem>>, vector<16xf32>,
      tpu.vector_store %arg18[%swap3A_195, %swap3A_196], %gather3A_193 {strides = array<i32>} : memref<16x640xf32, #tpu.memory_space<vmem>>, vector<16xf32>,
      %add3A_198 = arith.constant 11 : i32
      %add3A_199 = vector.broadcast %add3A_198 : i32 to vector<16xi32>
      %add3A_200 = arith.addi %mul3A_111, %add3A_199 : vector<16xi32>
      %gather3A_201 = tpu.vector_load_idx %arg17[%add3A_200] : memref<16000xf32, #tpu.memory_space<vmem>>[vector<16xi32>], vector<16xf32>,
      %swap3A_202 = arith.constant 11 : i32
      %swap3A_203 = arith.index_cast %swap3A_202 : i32 to index
      %swap3A_204 = arith.index_cast %multiple_of3A : i32 to index
      %swap3A_205 = tpu.vector_load %arg18[%swap3A_203, %swap3A_204] {strides = array<i32>} : memref<16x640xf32, #tpu.memory_space<vmem>>, vector<16xf32>,
      tpu.vector_store %arg18[%swap3A_203, %swap3A_204], %gather3A_201 {strides = array<i32>} : memref<16x640xf32, #tpu.memory_space<vmem>>, vector<16xf32>,
      %add3A_206 = arith.constant 12 : i32
      %add3A_207 = vector.broadcast %add3A_206 : i32 to vector<16xi32>
      %add3A_208 = arith.addi %mul3A_111, %add3A_207 : vector<16xi32>
      %gather3A_209 = tpu.vector_load_idx %arg17[%add3A_208] : memref<16000xf32, #tpu.memory_space<vmem>>[vector<16xi32>], vector<16xf32>,
      %swap3A_210 = arith.constant 12 : i32
      %swap3A_211 = arith.index_cast %swap3A_210 : i32 to index
      %swap3A_212 = arith.index_cast %multiple_of3A : i32 to index
      %swap3A_213 = tpu.vector_load %arg18[%swap3A_211, %swap3A_212] {strides = array<i32>} : memref<16x640xf32, #tpu.memory_space<vmem>>, vector<16xf32>,
      tpu.vector_store %arg18[%swap3A_211, %swap3A_212], %gather3A_209 {strides = array<i32>} : memref<16x640xf32, #tpu.memory_space<vmem>>, vector<16xf32>,
      %add3A_214 = arith.constant 13 : i32
      %add3A_215 = vector.broadcast %add3A_214 : i32 to vector<16xi32>
      %add3A_216 = arith.addi %mul3A_111, %add3A_215 : vector<16xi32>
      %gather3A_217 = tpu.vector_load_idx %arg17[%add3A_216] : memref<16000xf32, #tpu.memory_space<vmem>>[vector<16xi32>], vector<16xf32>,
      %swap3A_218 = arith.constant 13 : i32
      %swap3A_219 = arith.index_cast %swap3A_218 : i32 to index
      %swap3A_220 = arith.index_cast %multiple_of3A : i32 to index
      %swap3A_221 = tpu.vector_load %arg18[%swap3A_219, %swap3A_220] {strides = array<i32>} : memref<16x640xf32, #tpu.memory_space<vmem>>, vector<16xf32>,
      tpu.vector_store %arg18[%swap3A_219, %swap3A_220], %gather3A_217 {strides = array<i32>} : memref<16x640xf32, #tpu.memory_space<vmem>>, vector<16xf32>,
      %add3A_222 = arith.constant 14 : i32
      %add3A_223 = vector.broadcast %add3A_222 : i32 to vector<16xi32>
      %add3A_224 = arith.addi %mul3A_111, %add3A_223 : vector<16xi32>
      %gather3A_225 = tpu.vector_load_idx %arg17[%add3A_224] : memref<16000xf32, #tpu.memory_space<vmem>>[vector<16xi32>], vector<16xf32>,
      %swap3A_226 = arith.constant 14 : i32
      %swap3A_227 = arith.index_cast %swap3A_226 : i32 to index
      %swap3A_228 = arith.index_cast %multiple_of3A : i32 to index
      %swap3A_229 = tpu.vector_load %arg18[%swap3A_227, %swap3A_228] {strides = array<i32>} : memref<16x640xf32, #tpu.memory_space<vmem>>, vector<16xf32>,
      tpu.vector_store %arg18[%swap3A_227, %swap3A_228], %gather3A_225 {strides = array<i32>} : memref<16x640xf32, #tpu.memory_space<vmem>>, vector<16xf32>,
      %add3A_230 = arith.constant 15 : i32
      %add3A_231 = vector.broadcast %add3A_230 : i32 to vector<16xi32>
      %add3A_232 = arith.addi %mul3A_111, %add3A_231 : vector<16xi32>
      %gather3A_233 = tpu.vector_load_idx %arg17[%add3A_232] : memref<16000xf32, #tpu.memory_space<vmem>>[vector<16xi32>], vector<16xf32>,
      %swap3A_234 = arith.constant 15 : i32
      %swap3A_235 = arith.index_cast %swap3A_234 : i32 to index
      %swap3A_236 = arith.index_cast %multiple_of3A : i32 to index
      %swap3A_237 = tpu.vector_load %arg18[%swap3A_235, %swap3A_236] {strides = array<i32>} : memref<16x640xf32, #tpu.memory_space<vmem>>, vector<16xf32>,
      tpu.vector_store %arg18[%swap3A_235, %swap3A_236], %gather3A_233 {strides = array<i32>} : memref<16x640xf32, #tpu.memory_space<vmem>>, vector<16xf32>,
    }
    %scan3A_55 = arith.constant 40 : i32
    "tpu.region"() ({
      %run_scoped3A = tpu.sem_alloc : memref<!tpu.dma_semaphore, #tpu.memory_space<semaphore_mem>>
      %dma_start3A_105 = arith.constant 0 : i32
      %dma_start3A_106 = tpu.memref_slice %arg13[%dma_start3A_105, %mul3A_2] : memref<16x20480xf32, #tpu.memory_space<hbm>> -> memref<16x640xf32, #tpu.memory_space<hbm>>
      %dma_start3A_107 = arith.constant 0 : i32
      %dma_start3A_108 = tpu.memref_slice %arg13[%dma_start3A_107, %mul3A_2] : memref<16x20480xf32, #tpu.memory_space<hbm>> -> memref<16x640xf32, #tpu.memory_space<hbm>>
      tpu.enqueue_dma source(%arg18 : memref<16x640xf32, #tpu.memory_space<vmem>>) target(%dma_start3A_108 : memref<16x640xf32, #tpu.memory_space<hbm>>) target_semaphore(%run_scoped3A : memref<!tpu.dma_semaphore, #tpu.memory_space<semaphore_mem>>)
      %dma_wait3A_109 = arith.constant 0 : i32
      %dma_wait3A_110 = tpu.memref_slice %arg13[%dma_wait3A_109, %mul3A_2] : memref<16x20480xf32, #tpu.memory_space<hbm>> -> memref<16x640xf32, #tpu.memory_space<hbm>>
      %dma_wait3A_111 = arith.constant 0 : i32
      %dma_wait3A_112 = tpu.memref_slice %arg13[%dma_wait3A_111, %mul3A_2] : memref<16x20480xf32, #tpu.memory_space<hbm>> -> memref<16x640xf32, #tpu.memory_space<hbm>>
      tpu.wait_dma2 semaphore(%run_scoped3A : memref<!tpu.dma_semaphore, #tpu.memory_space<semaphore_mem>>) src(%arg18 : memref<16x640xf32, #tpu.memory_space<vmem>>) dst(%dma_wait3A_112 : memref<16x640xf32, #tpu.memory_space<hbm>>)
      tpu.yield
    }) : () -> ()
    %dma_wait3A = arith.constant 0 : i32
    %dma_wait3A_56 = arith.constant 0 : i32
    %dma_wait3A_57 = tpu.memref_slice %arg16[%dma_wait3A, %dma_wait3A_56] : memref<640x128xf32, #tpu.memory_space<vmem>> -> memref<128x128xf32, #tpu.memory_space<vmem>>
    %dma_wait3A_58 = arith.constant 0 : i32
    %dma_wait3A_59 = tpu.memref_slice %arg14[%dma_wait3A_58] : memref<640xi32, #tpu.memory_space<vmem>> -> memref<128xi32, #tpu.memory_space<vmem>>
    %dma_wait3A_60 = arith.constant 0 : i32
    %dma_wait3A_61 = arith.constant 0 : i32
    %dma_wait3A_62 = tpu.memref_slice %arg2[%dma_wait3A_60, %dma_wait3A_61] : memref<100000x128xf32, #tpu.memory_space<hbm>> -> memref<100000x128xf32, #tpu.memory_space<hbm>>
    tpu.wait_indirect_dma semaphore(%arg19 : memref<!tpu.dma_semaphore, #tpu.memory_space<semaphore_mem>>) src(%dma_wait3A_62 : memref<100000x128xf32, #tpu.memory_space<hbm>>) dst(%dma_wait3A_57 : memref<128x128xf32, #tpu.memory_space<vmem>>)
    %add3A_63 = arith.constant 0 : i32
    %add3A_64 = arith.addi %mul3A_2, %add3A_63 : i32
    "tpu.region"() ({
      %run_scoped3A = tpu.sem_alloc : memref<!tpu.dma_semaphore, #tpu.memory_space<semaphore_mem>>
      %dma_start3A_105 = arith.constant 0 : i32
      %dma_start3A_106 = arith.constant 0 : i32
      %dma_start3A_107 = tpu.memref_slice %arg16[%dma_start3A_105, %dma_start3A_106] : memref<640x128xf32, #tpu.memory_space<vmem>> -> memref<128x128xf32, #tpu.memory_space<vmem>>
      %dma_start3A_108 = arith.constant 0 : i32
      %dma_start3A_109 = tpu.memref_slice %arg10[%add3A_64, %dma_start3A_108] : memref<20480x128xf32, #tpu.memory_space<hbm>> -> memref<128x128xf32, #tpu.memory_space<hbm>>
      %dma_start3A_110 = arith.constant 0 : i32
      %dma_start3A_111 = tpu.memref_slice %arg10[%add3A_64, %dma_start3A_110] : memref<20480x128xf32, #tpu.memory_space<hbm>> -> memref<128x128xf32, #tpu.memory_space<hbm>>
      %dma_start3A_112 = arith.constant 0 : i32
      %dma_start3A_113 = arith.constant 0 : i32
      %dma_start3A_114 = tpu.memref_slice %arg16[%dma_start3A_112, %dma_start3A_113] : memref<640x128xf32, #tpu.memory_space<vmem>> -> memref<128x128xf32, #tpu.memory_space<vmem>>
      tpu.enqueue_dma source(%dma_start3A_114 : memref<128x128xf32, #tpu.memory_space<vmem>>) target(%dma_start3A_111 : memref<128x128xf32, #tpu.memory_space<hbm>>) target_semaphore(%run_scoped3A : memref<!tpu.dma_semaphore, #tpu.memory_space<semaphore_mem>>)
      %dma_wait3A_115 = arith.constant 0 : i32
      %dma_wait3A_116 = arith.constant 0 : i32
      %dma_wait3A_117 = tpu.memref_slice %arg16[%dma_wait3A_115, %dma_wait3A_116] : memref<640x128xf32, #tpu.memory_space<vmem>> -> memref<128x128xf32, #tpu.memory_space<vmem>>
      %dma_wait3A_118 = arith.constant 0 : i32
      %dma_wait3A_119 = tpu.memref_slice %arg10[%add3A_64, %dma_wait3A_118] : memref<20480x128xf32, #tpu.memory_space<hbm>> -> memref<128x128xf32, #tpu.memory_space<hbm>>
      %dma_wait3A_120 = arith.constant 0 : i32
      %dma_wait3A_121 = tpu.memref_slice %arg10[%add3A_64, %dma_wait3A_120] : memref<20480x128xf32, #tpu.memory_space<hbm>> -> memref<128x128xf32, #tpu.memory_space<hbm>>
      %dma_wait3A_122 = arith.constant 0 : i32
      %dma_wait3A_123 = arith.constant 0 : i32
      %dma_wait3A_124 = tpu.memref_slice %arg16[%dma_wait3A_122, %dma_wait3A_123] : memref<640x128xf32, #tpu.memory_space<vmem>> -> memref<128x128xf32, #tpu.memory_space<vmem>>
      tpu.wait_dma2 semaphore(%run_scoped3A : memref<!tpu.dma_semaphore, #tpu.memory_space<semaphore_mem>>) src(%dma_wait3A_124 : memref<128x128xf32, #tpu.memory_space<vmem>>) dst(%dma_wait3A_121 : memref<128x128xf32, #tpu.memory_space<hbm>>)
      tpu.yield
    }) : () -> ()
    %dma_wait3A_65 = arith.constant 128 : i32
    %dma_wait3A_66 = arith.constant 0 : i32
    %dma_wait3A_67 = tpu.memref_slice %arg16[%dma_wait3A_65, %dma_wait3A_66] : memref<640x128xf32, #tpu.memory_space<vmem>> -> memref<128x128xf32, #tpu.memory_space<vmem>>
    %dma_wait3A_68 = arith.constant 128 : i32
    %dma_wait3A_69 = tpu.memref_slice %arg14[%dma_wait3A_68] : memref<640xi32, #tpu.memory_space<vmem>> -> memref<128xi32, #tpu.memory_space<vmem>>
    %dma_wait3A_70 = arith.constant 0 : i32
    %dma_wait3A_71 = arith.constant 0 : i32
    %dma_wait3A_72 = tpu.memref_slice %arg2[%dma_wait3A_70, %dma_wait3A_71] : memref<100000x128xf32, #tpu.memory_space<hbm>> -> memref<100000x128xf32, #tpu.memory_space<hbm>>
    tpu.wait_indirect_dma semaphore(%arg19 : memref<!tpu.dma_semaphore, #tpu.memory_space<semaphore_mem>>) src(%dma_wait3A_72 : memref<100000x128xf32, #tpu.memory_space<hbm>>) dst(%dma_wait3A_67 : memref<128x128xf32, #tpu.memory_space<vmem>>)
    %add3A_73 = arith.constant 128 : i32
    %add3A_74 = arith.addi %mul3A_2, %add3A_73 : i32
    "tpu.region"() ({
      %run_scoped3A = tpu.sem_alloc : memref<!tpu.dma_semaphore, #tpu.memory_space<semaphore_mem>>
      %dma_start3A_105 = arith.constant 128 : i32
      %dma_start3A_106 = arith.constant 0 : i32
      %dma_start3A_107 = tpu.memref_slice %arg16[%dma_start3A_105, %dma_start3A_106] : memref<640x128xf32, #tpu.memory_space<vmem>> -> memref<128x128xf32, #tpu.memory_space<vmem>>
      %dma_start3A_108 = arith.constant 0 : i32
      %dma_start3A_109 = tpu.memref_slice %arg10[%add3A_74, %dma_start3A_108] : memref<20480x128xf32, #tpu.memory_space<hbm>> -> memref<128x128xf32, #tpu.memory_space<hbm>>
      %dma_start3A_110 = arith.constant 0 : i32
      %dma_start3A_111 = tpu.memref_slice %arg10[%add3A_74, %dma_start3A_110] : memref<20480x128xf32, #tpu.memory_space<hbm>> -> memref<128x128xf32, #tpu.memory_space<hbm>>
      %dma_start3A_112 = arith.constant 128 : i32
      %dma_start3A_113 = arith.constant 0 : i32
      %dma_start3A_114 = tpu.memref_slice %arg16[%dma_start3A_112, %dma_start3A_113] : memref<640x128xf32, #tpu.memory_space<vmem>> -> memref<128x128xf32, #tpu.memory_space<vmem>>
      tpu.enqueue_dma source(%dma_start3A_114 : memref<128x128xf32, #tpu.memory_space<vmem>>) target(%dma_start3A_111 : memref<128x128xf32, #tpu.memory_space<hbm>>) target_semaphore(%run_scoped3A : memref<!tpu.dma_semaphore, #tpu.memory_space<semaphore_mem>>)
      %dma_wait3A_115 = arith.constant 128 : i32
      %dma_wait3A_116 = arith.constant 0 : i32
      %dma_wait3A_117 = tpu.memref_slice %arg16[%dma_wait3A_115, %dma_wait3A_116] : memref<640x128xf32, #tpu.memory_space<vmem>> -> memref<128x128xf32, #tpu.memory_space<vmem>>
      %dma_wait3A_118 = arith.constant 0 : i32
      %dma_wait3A_119 = tpu.memref_slice %arg10[%add3A_74, %dma_wait3A_118] : memref<20480x128xf32, #tpu.memory_space<hbm>> -> memref<128x128xf32, #tpu.memory_space<hbm>>
      %dma_wait3A_120 = arith.constant 0 : i32
      %dma_wait3A_121 = tpu.memref_slice %arg10[%add3A_74, %dma_wait3A_120] : memref<20480x128xf32, #tpu.memory_space<hbm>> -> memref<128x128xf32, #tpu.memory_space<hbm>>
      %dma_wait3A_122 = arith.constant 128 : i32
      %dma_wait3A_123 = arith.constant 0 : i32
      %dma_wait3A_124 = tpu.memref_slice %arg16[%dma_wait3A_122, %dma_wait3A_123] : memref<640x128xf32, #tpu.memory_space<vmem>> -> memref<128x128xf32, #tpu.memory_space<vmem>>
      tpu.wait_dma2 semaphore(%run_scoped3A : memref<!tpu.dma_semaphore, #tpu.memory_space<semaphore_mem>>) src(%dma_wait3A_124 : memref<128x128xf32, #tpu.memory_space<vmem>>) dst(%dma_wait3A_121 : memref<128x128xf32, #tpu.memory_space<hbm>>)
      tpu.yield
    }) : () -> ()
    %dma_wait3A_75 = arith.constant 256 : i32
    %dma_wait3A_76 = arith.constant 0 : i32
    %dma_wait3A_77 = tpu.memref_slice %arg16[%dma_wait3A_75, %dma_wait3A_76] : memref<640x128xf32, #tpu.memory_space<vmem>> -> memref<128x128xf32, #tpu.memory_space<vmem>>
    %dma_wait3A_78 = arith.constant 256 : i32
    %dma_wait3A_79 = tpu.memref_slice %arg14[%dma_wait3A_78] : memref<640xi32, #tpu.memory_space<vmem>> -> memref<128xi32, #tpu.memory_space<vmem>>
    %dma_wait3A_80 = arith.constant 0 : i32
    %dma_wait3A_81 = arith.constant 0 : i32
    %dma_wait3A_82 = tpu.memref_slice %arg2[%dma_wait3A_80, %dma_wait3A_81] : memref<100000x128xf32, #tpu.memory_space<hbm>> -> memref<100000x128xf32, #tpu.memory_space<hbm>>
    tpu.wait_indirect_dma semaphore(%arg19 : memref<!tpu.dma_semaphore, #tpu.memory_space<semaphore_mem>>) src(%dma_wait3A_82 : memref<100000x128xf32, #tpu.memory_space<hbm>>) dst(%dma_wait3A_77 : memref<128x128xf32, #tpu.memory_space<vmem>>)
    %add3A_83 = arith.constant 256 : i32
    %add3A_84 = arith.addi %mul3A_2, %add3A_83 : i32
    "tpu.region"() ({
      %run_scoped3A = tpu.sem_alloc : memref<!tpu.dma_semaphore, #tpu.memory_space<semaphore_mem>>
      %dma_start3A_105 = arith.constant 256 : i32
      %dma_start3A_106 = arith.constant 0 : i32
      %dma_start3A_107 = tpu.memref_slice %arg16[%dma_start3A_105, %dma_start3A_106] : memref<640x128xf32, #tpu.memory_space<vmem>> -> memref<128x128xf32, #tpu.memory_space<vmem>>
      %dma_start3A_108 = arith.constant 0 : i32
      %dma_start3A_109 = tpu.memref_slice %arg10[%add3A_84, %dma_start3A_108] : memref<20480x128xf32, #tpu.memory_space<hbm>> -> memref<128x128xf32, #tpu.memory_space<hbm>>
      %dma_start3A_110 = arith.constant 0 : i32
      %dma_start3A_111 = tpu.memref_slice %arg10[%add3A_84, %dma_start3A_110] : memref<20480x128xf32, #tpu.memory_space<hbm>> -> memref<128x128xf32, #tpu.memory_space<hbm>>
      %dma_start3A_112 = arith.constant 256 : i32
      %dma_start3A_113 = arith.constant 0 : i32
      %dma_start3A_114 = tpu.memref_slice %arg16[%dma_start3A_112, %dma_start3A_113] : memref<640x128xf32, #tpu.memory_space<vmem>> -> memref<128x128xf32, #tpu.memory_space<vmem>>
      tpu.enqueue_dma source(%dma_start3A_114 : memref<128x128xf32, #tpu.memory_space<vmem>>) target(%dma_start3A_111 : memref<128x128xf32, #tpu.memory_space<hbm>>) target_semaphore(%run_scoped3A : memref<!tpu.dma_semaphore, #tpu.memory_space<semaphore_mem>>)
      %dma_wait3A_115 = arith.constant 256 : i32
      %dma_wait3A_116 = arith.constant 0 : i32
      %dma_wait3A_117 = tpu.memref_slice %arg16[%dma_wait3A_115, %dma_wait3A_116] : memref<640x128xf32, #tpu.memory_space<vmem>> -> memref<128x128xf32, #tpu.memory_space<vmem>>
      %dma_wait3A_118 = arith.constant 0 : i32
      %dma_wait3A_119 = tpu.memref_slice %arg10[%add3A_84, %dma_wait3A_118] : memref<20480x128xf32, #tpu.memory_space<hbm>> -> memref<128x128xf32, #tpu.memory_space<hbm>>
      %dma_wait3A_120 = arith.constant 0 : i32
      %dma_wait3A_121 = tpu.memref_slice %arg10[%add3A_84, %dma_wait3A_120] : memref<20480x128xf32, #tpu.memory_space<hbm>> -> memref<128x128xf32, #tpu.memory_space<hbm>>
      %dma_wait3A_122 = arith.constant 256 : i32
      %dma_wait3A_123 = arith.constant 0 : i32
      %dma_wait3A_124 = tpu.memref_slice %arg16[%dma_wait3A_122, %dma_wait3A_123] : memref<640x128xf32, #tpu.memory_space<vmem>> -> memref<128x128xf32, #tpu.memory_space<vmem>>
      tpu.wait_dma2 semaphore(%run_scoped3A : memref<!tpu.dma_semaphore, #tpu.memory_space<semaphore_mem>>) src(%dma_wait3A_124 : memref<128x128xf32, #tpu.memory_space<vmem>>) dst(%dma_wait3A_121 : memref<128x128xf32, #tpu.memory_space<hbm>>)
      tpu.yield
    }) : () -> ()
    %dma_wait3A_85 = arith.constant 384 : i32
    %dma_wait3A_86 = arith.constant 0 : i32
    %dma_wait3A_87 = tpu.memref_slice %arg16[%dma_wait3A_85, %dma_wait3A_86] : memref<640x128xf32, #tpu.memory_space<vmem>> -> memref<128x128xf32, #tpu.memory_space<vmem>>
    %dma_wait3A_88 = arith.constant 384 : i32
    %dma_wait3A_89 = tpu.memref_slice %arg14[%dma_wait3A_88] : memref<640xi32, #tpu.memory_space<vmem>> -> memref<128xi32, #tpu.memory_space<vmem>>
    %dma_wait3A_90 = arith.constant 0 : i32
    %dma_wait3A_91 = arith.constant 0 : i32
    %dma_wait3A_92 = tpu.memref_slice %arg2[%dma_wait3A_90, %dma_wait3A_91] : memref<100000x128xf32, #tpu.memory_space<hbm>> -> memref<100000x128xf32, #tpu.memory_space<hbm>>
    tpu.wait_indirect_dma semaphore(%arg19 : memref<!tpu.dma_semaphore, #tpu.memory_space<semaphore_mem>>) src(%dma_wait3A_92 : memref<100000x128xf32, #tpu.memory_space<hbm>>) dst(%dma_wait3A_87 : memref<128x128xf32, #tpu.memory_space<vmem>>)
    %add3A_93 = arith.constant 384 : i32
    %add3A_94 = arith.addi %mul3A_2, %add3A_93 : i32
    "tpu.region"() ({
      %run_scoped3A = tpu.sem_alloc : memref<!tpu.dma_semaphore, #tpu.memory_space<semaphore_mem>>
      %dma_start3A_105 = arith.constant 384 : i32
      %dma_start3A_106 = arith.constant 0 : i32
      %dma_start3A_107 = tpu.memref_slice %arg16[%dma_start3A_105, %dma_start3A_106] : memref<640x128xf32, #tpu.memory_space<vmem>> -> memref<128x128xf32, #tpu.memory_space<vmem>>
      %dma_start3A_108 = arith.constant 0 : i32
      %dma_start3A_109 = tpu.memref_slice %arg10[%add3A_94, %dma_start3A_108] : memref<20480x128xf32, #tpu.memory_space<hbm>> -> memref<128x128xf32, #tpu.memory_space<hbm>>
      %dma_start3A_110 = arith.constant 0 : i32
      %dma_start3A_111 = tpu.memref_slice %arg10[%add3A_94, %dma_start3A_110] : memref<20480x128xf32, #tpu.memory_space<hbm>> -> memref<128x128xf32, #tpu.memory_space<hbm>>
      %dma_start3A_112 = arith.constant 384 : i32
      %dma_start3A_113 = arith.constant 0 : i32
      %dma_start3A_114 = tpu.memref_slice %arg16[%dma_start3A_112, %dma_start3A_113] : memref<640x128xf32, #tpu.memory_space<vmem>> -> memref<128x128xf32, #tpu.memory_space<vmem>>
      tpu.enqueue_dma source(%dma_start3A_114 : memref<128x128xf32, #tpu.memory_space<vmem>>) target(%dma_start3A_111 : memref<128x128xf32, #tpu.memory_space<hbm>>) target_semaphore(%run_scoped3A : memref<!tpu.dma_semaphore, #tpu.memory_space<semaphore_mem>>)
      %dma_wait3A_115 = arith.constant 384 : i32
      %dma_wait3A_116 = arith.constant 0 : i32
      %dma_wait3A_117 = tpu.memref_slice %arg16[%dma_wait3A_115, %dma_wait3A_116] : memref<640x128xf32, #tpu.memory_space<vmem>> -> memref<128x128xf32, #tpu.memory_space<vmem>>
      %dma_wait3A_118 = arith.constant 0 : i32
      %dma_wait3A_119 = tpu.memref_slice %arg10[%add3A_94, %dma_wait3A_118] : memref<20480x128xf32, #tpu.memory_space<hbm>> -> memref<128x128xf32, #tpu.memory_space<hbm>>
      %dma_wait3A_120 = arith.constant 0 : i32
      %dma_wait3A_121 = tpu.memref_slice %arg10[%add3A_94, %dma_wait3A_120] : memref<20480x128xf32, #tpu.memory_space<hbm>> -> memref<128x128xf32, #tpu.memory_space<hbm>>
      %dma_wait3A_122 = arith.constant 384 : i32
      %dma_wait3A_123 = arith.constant 0 : i32
      %dma_wait3A_124 = tpu.memref_slice %arg16[%dma_wait3A_122, %dma_wait3A_123] : memref<640x128xf32, #tpu.memory_space<vmem>> -> memref<128x128xf32, #tpu.memory_space<vmem>>
      tpu.wait_dma2 semaphore(%run_scoped3A : memref<!tpu.dma_semaphore, #tpu.memory_space<semaphore_mem>>) src(%dma_wait3A_124 : memref<128x128xf32, #tpu.memory_space<vmem>>) dst(%dma_wait3A_121 : memref<128x128xf32, #tpu.memory_space<hbm>>)
      tpu.yield
    }) : () -> ()
    %dma_wait3A_95 = arith.constant 512 : i32
    %dma_wait3A_96 = arith.constant 0 : i32
    %dma_wait3A_97 = tpu.memref_slice %arg16[%dma_wait3A_95, %dma_wait3A_96] : memref<640x128xf32, #tpu.memory_space<vmem>> -> memref<128x128xf32, #tpu.memory_space<vmem>>
    %dma_wait3A_98 = arith.constant 512 : i32
    %dma_wait3A_99 = tpu.memref_slice %arg14[%dma_wait3A_98] : memref<640xi32, #tpu.memory_space<vmem>> -> memref<128xi32, #tpu.memory_space<vmem>>
    %dma_wait3A_100 = arith.constant 0 : i32
    %dma_wait3A_101 = arith.constant 0 : i32
    %dma_wait3A_102 = tpu.memref_slice %arg2[%dma_wait3A_100, %dma_wait3A_101] : memref<100000x128xf32, #tpu.memory_space<hbm>> -> memref<100000x128xf32, #tpu.memory_space<hbm>>
    tpu.wait_indirect_dma semaphore(%arg19 : memref<!tpu.dma_semaphore, #tpu.memory_space<semaphore_mem>>) src(%dma_wait3A_102 : memref<100000x128xf32, #tpu.memory_space<hbm>>) dst(%dma_wait3A_97 : memref<128x128xf32, #tpu.memory_space<vmem>>)
    %add3A_103 = arith.constant 512 : i32
    %add3A_104 = arith.addi %mul3A_2, %add3A_103 : i32
    "tpu.region"() ({
      %run_scoped3A = tpu.sem_alloc : memref<!tpu.dma_semaphore, #tpu.memory_space<semaphore_mem>>
      %dma_start3A_105 = arith.constant 512 : i32
      %dma_start3A_106 = arith.constant 0 : i32
      %dma_start3A_107 = tpu.memref_slice %arg16[%dma_start3A_105, %dma_start3A_106] : memref<640x128xf32, #tpu.memory_space<vmem>> -> memref<128x128xf32, #tpu.memory_space<vmem>>
      %dma_start3A_108 = arith.constant 0 : i32
      %dma_start3A_109 = tpu.memref_slice %arg10[%add3A_104, %dma_start3A_108] : memref<20480x128xf32, #tpu.memory_space<hbm>> -> memref<128x128xf32, #tpu.memory_space<hbm>>
      %dma_start3A_110 = arith.constant 0 : i32
      %dma_start3A_111 = tpu.memref_slice %arg10[%add3A_104, %dma_start3A_110] : memref<20480x128xf32, #tpu.memory_space<hbm>> -> memref<128x128xf32, #tpu.memory_space<hbm>>
      %dma_start3A_112 = arith.constant 512 : i32
      %dma_start3A_113 = arith.constant 0 : i32
      %dma_start3A_114 = tpu.memref_slice %arg16[%dma_start3A_112, %dma_start3A_113] : memref<640x128xf32, #tpu.memory_space<vmem>> -> memref<128x128xf32, #tpu.memory_space<vmem>>
      tpu.enqueue_dma source(%dma_start3A_114 : memref<128x128xf32, #tpu.memory_space<vmem>>) target(%dma_start3A_111 : memref<128x128xf32, #tpu.memory_space<hbm>>) target_semaphore(%run_scoped3A : memref<!tpu.dma_semaphore, #tpu.memory_space<semaphore_mem>>)
      %dma_wait3A_115 = arith.constant 512 : i32
      %dma_wait3A_116 = arith.constant 0 : i32
      %dma_wait3A_117 = tpu.memref_slice %arg16[%dma_wait3A_115, %dma_wait3A_116] : memref<640x128xf32, #tpu.memory_space<vmem>> -> memref<128x128xf32, #tpu.memory_space<vmem>>
      %dma_wait3A_118 = arith.constant 0 : i32
      %dma_wait3A_119 = tpu.memref_slice %arg10[%add3A_104, %dma_wait3A_118] : memref<20480x128xf32, #tpu.memory_space<hbm>> -> memref<128x128xf32, #tpu.memory_space<hbm>>
      %dma_wait3A_120 = arith.constant 0 : i32
      %dma_wait3A_121 = tpu.memref_slice %arg10[%add3A_104, %dma_wait3A_120] : memref<20480x128xf32, #tpu.memory_space<hbm>> -> memref<128x128xf32, #tpu.memory_space<hbm>>
      %dma_wait3A_122 = arith.constant 512 : i32
      %dma_wait3A_123 = arith.constant 0 : i32
      %dma_wait3A_124 = tpu.memref_slice %arg16[%dma_wait3A_122, %dma_wait3A_123] : memref<640x128xf32, #tpu.memory_space<vmem>> -> memref<128x128xf32, #tpu.memory_space<vmem>>
      tpu.wait_dma2 semaphore(%run_scoped3A : memref<!tpu.dma_semaphore, #tpu.memory_space<semaphore_mem>>) src(%dma_wait3A_124 : memref<128x128xf32, #tpu.memory_space<vmem>>) dst(%dma_wait3A_121 : memref<128x128xf32, #tpu.memory_space<hbm>>)
      tpu.yield
    }) : () -> ()
    return
  }
}

module attributes {stable_mosaic.version = 14 : i64} {
  func.func @_tc_body(%arg0: i32, %arg1: memref<4096x128xf32, #tpu.memory_space<vmem>>, %arg2: memref<16x4096xf32, #tpu.memory_space<vmem>>, %arg3: memref<16x4096xf32, #tpu.memory_space<vmem>>, %arg4: memref<16x4096xf32, #tpu.memory_space<vmem>>, %arg5: memref<4x4096xf32, #tpu.memory_space<vmem>>, %arg6: memref<1x4096xf32, #tpu.memory_space<vmem>>, %arg7: memref<4x1x1024xf32, #tpu.memory_space<vmem>>, %arg8: memref<32x1xf32, #tpu.memory_space<vmem>>, %arg9: memref<32x1xf32, #tpu.memory_space<vmem>>, %arg10: memref<8x1xf32, #tpu.memory_space<vmem>>, %arg11: memref<8x1xf32, #tpu.memory_space<vmem>>, %arg12: memref<64x128xf32, #tpu.memory_space<vmem>>, %arg13: memref<64x32xf32, #tpu.memory_space<vmem>>, %arg14: memref<64x16xf32, #tpu.memory_space<vmem>>, %arg15: memref<64x8xf32, #tpu.memory_space<vmem>>, %arg16: memref<64x16xf32, #tpu.memory_space<vmem>>, %arg17: memref<64x16xf32, #tpu.memory_space<vmem>>, %arg18: memref<64x1xf32, #tpu.memory_space<vmem>>, %arg19: memref<4x64x1024xf32, #tpu.memory_space<vmem>>) attributes {dimension_semantics = [#tpu.dimension_semantics<arbitrary>], iteration_bounds = array<i64: 5>, scalar_prefetch = 0 : i64, scratch_operands = 0 : i64, tpu.core_type = #tpu.core_type<tc>, window_params = [{transform_indices = @transform_0, window_bounds = array<i64: 4096, 128>}, {transform_indices = @transform_1, window_bounds = array<i64: 16, 4096>}, {transform_indices = @transform_2, window_bounds = array<i64: 16, 4096>}, {transform_indices = @transform_3, window_bounds = array<i64: 16, 4096>}, {transform_indices = @transform_4, window_bounds = array<i64: 4, 4096>}, {transform_indices = @transform_5, window_bounds = array<i64: 1, 4096>}, {transform_indices = @transform_6, window_bounds = array<i64: 4, 1, 1024>}, {pipeline_mode = #tpu.pipeline_mode<synchronous>, transform_indices = @transform_7, window_bounds = array<i64: 32, 1>}, {pipeline_mode = #tpu.pipeline_mode<synchronous>, transform_indices = @transform_8, window_bounds = array<i64: 32, 1>}, {pipeline_mode = #tpu.pipeline_mode<synchronous>, transform_indices = @transform_9, window_bounds = array<i64: 8, 1>}, {pipeline_mode = #tpu.pipeline_mode<synchronous>, transform_indices = @transform_10, window_bounds = array<i64: 8, 1>}, {pipeline_mode = #tpu.pipeline_mode<synchronous>, transform_indices = @transform_11, window_bounds = array<i64: 64, 128>}, {pipeline_mode = #tpu.pipeline_mode<synchronous>, transform_indices = @transform_12, window_bounds = array<i64: 64, 32>}, {pipeline_mode = #tpu.pipeline_mode<synchronous>, transform_indices = @transform_13, window_bounds = array<i64: 64, 16>}, {pipeline_mode = #tpu.pipeline_mode<synchronous>, transform_indices = @transform_14, window_bounds = array<i64: 64, 8>}, {pipeline_mode = #tpu.pipeline_mode<synchronous>, transform_indices = @transform_15, window_bounds = array<i64: 64, 16>}, {pipeline_mode = #tpu.pipeline_mode<synchronous>, transform_indices = @transform_16, window_bounds = array<i64: 64, 16>}, {pipeline_mode = #tpu.pipeline_mode<synchronous>, transform_indices = @transform_17, window_bounds = array<i64: 64, 1>}, {transform_indices = @transform_18, window_bounds = array<i64: 4, 64, 1024>}]} {
    %get3A = arith.constant 0 : index
    %get3A_0 = arith.constant 0 : index
    %get3A_1 = vector.load %arg15[%get3A, %get3A_0] : memref<64x8xf32, #tpu.memory_space<vmem>>, vector<64x8xf32>
    %get3A_2 = arith.constant 0 : index
    %get3A_3 = arith.constant 0 : index
    %get3A_4 = vector.load %arg10[%get3A_2, %get3A_3] : memref<8x1xf32, #tpu.memory_space<vmem>>, vector<8x1xf32>
    %dot_general3A = arith.constant dense<0.000000e+00> : vector<64x1xf32>
    %dot_general3A_5 = tpu.matmul %get3A_1, %get3A_4, %dot_general3A {dimension_numbers = #tpu.dot_dimension_numbers<[1], [0], [0], [1], [0, 0, 1, 1], [], []>, transpose_lhs_hint = false} : vector<64x8xf32>, vector<8x1xf32>, vector<64x1xf32> -> vector<64x1xf32>
    %get3A_6 = arith.constant 0 : index
    %get3A_7 = arith.constant 0 : index
    %get3A_8 = vector.load %arg15[%get3A_6, %get3A_7] : memref<64x8xf32, #tpu.memory_space<vmem>>, vector<64x8xf32>
    %get3A_9 = arith.constant 0 : index
    %get3A_10 = arith.constant 0 : index
    %get3A_11 = vector.load %arg11[%get3A_9, %get3A_10] : memref<8x1xf32, #tpu.memory_space<vmem>>, vector<8x1xf32>
    %dot_general3A_12 = arith.constant dense<0.000000e+00> : vector<64x1xf32>
    %dot_general3A_13 = tpu.matmul %get3A_8, %get3A_11, %dot_general3A_12 {dimension_numbers = #tpu.dot_dimension_numbers<[1], [0], [0], [1], [0, 0, 1, 1], [], []>, transpose_lhs_hint = false} : vector<64x8xf32>, vector<8x1xf32>, vector<64x1xf32> -> vector<64x1xf32>
    %get3A_14 = arith.constant 0 : index
    %get3A_15 = arith.constant 0 : index
    %get3A_16 = vector.load %arg5[%get3A_14, %get3A_15] : memref<4x4096xf32, #tpu.memory_space<vmem>>, vector<4x1024xf32>
    %slice3A = vector.extract_strided_slice %get3A_16 {offsets = [0, 0], sizes = [1, 1024], strides = [1, 1]} : vector<4x1024xf32> to vector<1x1024xf32>
    %broadcast_in_dim3A = vector.shape_cast %slice3A : vector<1x1024xf32> to vector<1x1024xf32>
    %broadcast_in_dim3A_17 = vector.broadcast %broadcast_in_dim3A : vector<1x1024xf32> to vector<8x1024xf32>
    %slice3A_18 = vector.extract_strided_slice %get3A_16 {offsets = [1, 0], sizes = [1, 1024], strides = [1, 1]} : vector<4x1024xf32> to vector<1x1024xf32>
    %broadcast_in_dim3A_19 = vector.shape_cast %slice3A_18 : vector<1x1024xf32> to vector<1x1024xf32>
    %broadcast_in_dim3A_20 = vector.broadcast %broadcast_in_dim3A_19 : vector<1x1024xf32> to vector<8x1024xf32>
    %slice3A_21 = vector.extract_strided_slice %get3A_16 {offsets = [2, 0], sizes = [1, 1024], strides = [1, 1]} : vector<4x1024xf32> to vector<1x1024xf32>
    %broadcast_in_dim3A_22 = vector.shape_cast %slice3A_21 : vector<1x1024xf32> to vector<1x1024xf32>
    %broadcast_in_dim3A_23 = vector.broadcast %broadcast_in_dim3A_22 : vector<1x1024xf32> to vector<8x1024xf32>
    %slice3A_24 = vector.extract_strided_slice %get3A_16 {offsets = [3, 0], sizes = [1, 1024], strides = [1, 1]} : vector<4x1024xf32> to vector<1x1024xf32>
    %broadcast_in_dim3A_25 = vector.shape_cast %slice3A_24 : vector<1x1024xf32> to vector<1x1024xf32>
    %broadcast_in_dim3A_26 = vector.broadcast %broadcast_in_dim3A_25 : vector<1x1024xf32> to vector<8x1024xf32>
    %concatenate3A = tpu.concatenate %broadcast_in_dim3A_17, %broadcast_in_dim3A_20, %broadcast_in_dim3A_23, %broadcast_in_dim3A_26 in 0 : vector<8x1024xf32>, vector<8x1024xf32>, vector<8x1024xf32>, vector<8x1024xf32> -> vector<32x1024xf32>
    %get3A_27 = arith.constant 0 : index
    %get3A_28 = arith.constant 0 : index
    %get3A_29 = vector.load %arg8[%get3A_27, %get3A_28] : memref<32x1xf32, #tpu.memory_space<vmem>>, vector<32x1xf32>
    %mul3A = vector.broadcast %get3A_29 : vector<32x1xf32> to vector<32x1024xf32>
    %mul3A_30 = arith.mulf %concatenate3A, %mul3A : vector<32x1024xf32>
    %get3A_31 = arith.constant 0 : index
    %get3A_32 = arith.constant 0 : index
    %get3A_33 = vector.load %arg9[%get3A_31, %get3A_32] : memref<32x1xf32, #tpu.memory_space<vmem>>, vector<32x1xf32>
    %add3A = vector.broadcast %get3A_33 : vector<32x1xf32> to vector<32x1024xf32>
    %add3A_34 = arith.addf %mul3A_30, %add3A : vector<32x1024xf32>
    %iota3A = tpu.iota {dimensions = array<i32: 0>} : vector<32x1024xi32>
    %jit3A = arith.constant 8 : i32
    %eq3A = arith.constant 0 : i32
    %eq3A_35 = arith.cmpi eq, %jit3A, %eq3A : i32
    %jit3A_36 = arith.constant 1 : i32
    %select_n3A = arith.select %eq3A_35, %jit3A_36, %jit3A : i32
    %rem3A = vector.broadcast %select_n3A : i32 to vector<32x1024xi32>
    %rem3A_37 = arith.remsi %iota3A, %rem3A : vector<32x1024xi32>
    %ne3A = arith.constant 0 : i32
    %ne3A_38 = vector.broadcast %ne3A : i32 to vector<32x1024xi32>
    %ne3A_39 = arith.cmpi ne, %rem3A_37, %ne3A_38 : vector<32x1024xi32>
    %lt3A = arith.constant 0 : i32
    %lt3A_40 = vector.broadcast %lt3A : i32 to vector<32x1024xi32>
    %lt3A_41 = arith.cmpi slt, %rem3A_37, %lt3A_40 : vector<32x1024xi32>
    %lt3A_42 = arith.constant 0 : i32
    %lt3A_43 = arith.cmpi slt, %select_n3A, %lt3A_42 : i32
    %ne3A_44 = vector.broadcast %lt3A_43 : i1 to vector<32x1024xi1>
    %ne3A_45 = vector.broadcast %ne3A_44 : vector<32x1024xi1> to vector<32x1024xi1>
    %ne3A_46 = arith.xori %lt3A_41, %ne3A_45 : vector<32x1024xi1>
    %and3A = arith.andi %ne3A_46, %ne3A_39 : vector<32x1024xi1>
    %add3A_47 = vector.broadcast %select_n3A : i32 to vector<32x1024xi32>
    %add3A_48 = arith.addi %rem3A_37, %add3A_47 : vector<32x1024xi32>
    %select_n3A_49 = arith.select %and3A, %add3A_48, %rem3A_37 : vector<32x1024xi1>, vector<32x1024xi32>
    %eq3A_50 = arith.constant 0 : i32
    %eq3A_51 = vector.broadcast %eq3A_50 : i32 to vector<32x1024xi32>
    %eq3A_52 = arith.cmpi eq, %select_n3A_49, %eq3A_51 : vector<32x1024xi32>
    %mul3A_53 = arith.constant 0.318309873 : f32
    %mul3A_54 = vector.broadcast %mul3A_53 : f32 to vector<32x1024xf32>
    %mul3A_55 = arith.mulf %add3A_34, %mul3A_54 : vector<32x1024xf32>
    %round3A = math.roundeven %mul3A_55 : vector<32x1024xf32>
    %mul3A_56 = arith.constant 3.14159274 : f32
    %mul3A_57 = vector.broadcast %mul3A_56 : f32 to vector<32x1024xf32>
    %mul3A_58 = arith.mulf %round3A, %mul3A_57 : vector<32x1024xf32>
    %sub3A = arith.subf %add3A_34, %mul3A_58 : vector<32x1024xf32>
    %mul3A_59 = arith.constant -8.74227765E-8 : f32
    %mul3A_60 = vector.broadcast %mul3A_59 : f32 to vector<32x1024xf32>
    %mul3A_61 = arith.mulf %round3A, %mul3A_60 : vector<32x1024xf32>
    %sub3A_62 = arith.subf %sub3A, %mul3A_61 : vector<32x1024xf32>
    %jit3A_63 = arith.constant -1.600000e+00 : f32
    %jit3A_64 = arith.constant 1.600000e+00 : f32
    %max3A = vector.broadcast %jit3A_63 : f32 to vector<32x1024xf32>
    %max3A_65 = arith.maximumf %max3A, %sub3A_62 : vector<32x1024xf32>
    %min3A = vector.broadcast %jit3A_64 : f32 to vector<32x1024xf32>
    %min3A_66 = arith.minimumf %min3A, %max3A_65 : vector<32x1024xf32>
    %mul3A_67 = arith.mulf %min3A_66, %min3A_66 : vector<32x1024xf32>
    %mul3A_68 = arith.constant -2.50507579E-8 : f32
    %mul3A_69 = vector.broadcast %mul3A_68 : f32 to vector<32x1024xf32>
    %mul3A_70 = arith.mulf %mul3A_69, %mul3A_67 : vector<32x1024xf32>
    %add3A_71 = arith.constant 2.75573143E-6 : f32
    %add3A_72 = vector.broadcast %add3A_71 : f32 to vector<32x1024xf32>
    %add3A_73 = arith.addf %mul3A_70, %add3A_72 : vector<32x1024xf32>
    %mul3A_74 = arith.mulf %add3A_73, %mul3A_67 : vector<32x1024xf32>
    %add3A_75 = arith.constant -1.98412701E-4 : f32
    %add3A_76 = vector.broadcast %add3A_75 : f32 to vector<32x1024xf32>
    %add3A_77 = arith.addf %mul3A_74, %add3A_76 : vector<32x1024xf32>
    %mul3A_78 = arith.mulf %add3A_77, %mul3A_67 : vector<32x1024xf32>
    %add3A_79 = arith.constant 0.00833333377 : f32
    %add3A_80 = vector.broadcast %add3A_79 : f32 to vector<32x1024xf32>
    %add3A_81 = arith.addf %mul3A_78, %add3A_80 : vector<32x1024xf32>
    %mul3A_82 = arith.mulf %add3A_81, %mul3A_67 : vector<32x1024xf32>
    %add3A_83 = arith.constant -0.166666672 : f32
    %add3A_84 = vector.broadcast %add3A_83 : f32 to vector<32x1024xf32>
    %add3A_85 = arith.addf %mul3A_82, %add3A_84 : vector<32x1024xf32>
    %mul3A_86 = arith.mulf %mul3A_67, %add3A_85 : vector<32x1024xf32>
    %mul3A_87 = arith.mulf %min3A_66, %mul3A_86 : vector<32x1024xf32>
    %add3A_88 = arith.addf %min3A_66, %mul3A_87 : vector<32x1024xf32>
    %mul3A_89 = arith.constant 5.000000e-01 : f32
    %mul3A_90 = vector.broadcast %mul3A_89 : f32 to vector<32x1024xf32>
    %mul3A_91 = arith.mulf %round3A, %mul3A_90 : vector<32x1024xf32>
    %round3A_92 = math.roundeven %mul3A_91 : vector<32x1024xf32>
    %mul3A_93 = arith.constant 2.000000e+00 : f32
    %mul3A_94 = vector.broadcast %mul3A_93 : f32 to vector<32x1024xf32>
    %mul3A_95 = arith.mulf %round3A_92, %mul3A_94 : vector<32x1024xf32>
    %ne3A_96 = arith.cmpf one, %mul3A_95, %round3A : vector<32x1024xf32>
    %neg3A = arith.constant 0.000000e+00 : f32
    %neg3A_97 = vector.broadcast %neg3A : f32 to vector<32x1024xf32>
    %neg3A_98 = arith.subf %neg3A_97, %add3A_88 : vector<32x1024xf32>
    %select_n3A_99 = arith.select %ne3A_96, %neg3A_98, %add3A_88 : vector<32x1024xi1>, vector<32x1024xf32>
    %select_n3A_100 = arith.select %eq3A_52, %add3A_34, %select_n3A_99 : vector<32x1024xi1>, vector<32x1024xf32>
    %get3A_101 = arith.constant 0 : index
    %get3A_102 = arith.constant 0 : index
    %get3A_103 = arith.constant 0 : index
    %get3A_104 = vector.load %arg7[%get3A_101, %get3A_102, %get3A_103] : memref<4x1x1024xf32, #tpu.memory_space<vmem>>, vector<1x1x1024xf32>
    %get3A_105 = vector.shape_cast %get3A_104 : vector<1x1x1024xf32> to vector<1x1024xf32>
    %reduce_sum3A = vector.shape_cast %get3A_105 : vector<1x1024xf32> to vector<1x1x1024xf32>
    %reduce_sum3A_106 = arith.constant dense<0.000000e+00> : vector<1xf32>
    %reduce_sum3A_107 = vector.multi_reduction <add>, %reduce_sum3A, %reduce_sum3A_106 [1, 2] : vector<1x1x1024xf32> to vector<1xf32>
    %reduce_sum3A_108 = vector.shape_cast %reduce_sum3A_107 : vector<1xf32> to vector<1x1x1xf32>
    %reduce_sum3A_109 = vector.extract %reduce_sum3A_108[0, 0, 0] : f32 from vector<1x1x1xf32>
    %get3A_110 = arith.constant 0 : index
    %get3A_111 = arith.constant 0 : index
    %get3A_112 = vector.load %arg12[%get3A_110, %get3A_111] : memref<64x128xf32, #tpu.memory_space<vmem>>, vector<64x128xf32>
    %get3A_113 = arith.constant 0 : index
    %get3A_114 = arith.constant 0 : index
    %get3A_115 = vector.load %arg1[%get3A_113, %get3A_114] : memref<4096x128xf32, #tpu.memory_space<vmem>>, vector<1024x128xf32>
    %dot_general3A_116 = arith.constant dense<0.000000e+00> : vector<64x1024xf32>
    %dot_general3A_117 = tpu.matmul %get3A_112, %get3A_115, %dot_general3A_116 {dimension_numbers = #tpu.dot_dimension_numbers<[1], [1], [0], [0], [0, 0, 1, 0], [], []>, transpose_lhs_hint = false} : vector<64x128xf32>, vector<1024x128xf32>, vector<64x1024xf32> -> vector<64x1024xf32>
    %get3A_118 = arith.constant 0 : index
    %get3A_119 = arith.constant 0 : index
    %get3A_120 = vector.load %arg13[%get3A_118, %get3A_119] : memref<64x32xf32, #tpu.memory_space<vmem>>, vector<64x32xf32>
    %dot_general3A_121 = arith.constant dense<0.000000e+00> : vector<64x1024xf32>
    %dot_general3A_122 = tpu.matmul %get3A_120, %select_n3A_100, %dot_general3A_121 {dimension_numbers = #tpu.dot_dimension_numbers<[1], [0], [0], [1], [0, 0, 1, 1], [], []>, transpose_lhs_hint = false} : vector<64x32xf32>, vector<32x1024xf32>, vector<64x1024xf32> -> vector<64x1024xf32>
    %add3A_123 = arith.addf %dot_general3A_117, %dot_general3A_122 : vector<64x1024xf32>
    %get3A_124 = arith.constant 0 : index
    %get3A_125 = arith.constant 0 : index
    %get3A_126 = vector.load %arg14[%get3A_124, %get3A_125] : memref<64x16xf32, #tpu.memory_space<vmem>>, vector<64x16xf32>
    %get3A_127 = arith.constant 0 : index
    %get3A_128 = arith.constant 0 : index
    %get3A_129 = vector.load %arg2[%get3A_127, %get3A_128] : memref<16x4096xf32, #tpu.memory_space<vmem>>, vector<16x1024xf32>
    %dot_general3A_130 = arith.constant dense<0.000000e+00> : vector<64x1024xf32>
    %dot_general3A_131 = tpu.matmul %get3A_126, %get3A_129, %dot_general3A_130 {dimension_numbers = #tpu.dot_dimension_numbers<[1], [0], [0], [1], [0, 0, 1, 1], [], []>, transpose_lhs_hint = false} : vector<64x16xf32>, vector<16x1024xf32>, vector<64x1024xf32> -> vector<64x1024xf32>
    %mul3A_132 = vector.broadcast %reduce_sum3A_109 : f32 to vector<64x1024xf32>
    %mul3A_133 = arith.mulf %dot_general3A_131, %mul3A_132 : vector<64x1024xf32>
    %add3A_134 = arith.addf %add3A_123, %mul3A_133 : vector<64x1024xf32>
    %get3A_135 = arith.constant 0 : index
    %get3A_136 = arith.constant 0 : index
    %get3A_137 = vector.load %arg6[%get3A_135, %get3A_136] : memref<1x4096xf32, #tpu.memory_space<vmem>>, vector<1x1024xf32>
    %mul3A_138 = vector.broadcast %dot_general3A_5 : vector<64x1xf32> to vector<64x1024xf32>
    %mul3A_139 = vector.broadcast %get3A_137 : vector<1x1024xf32> to vector<64x1024xf32>
    %mul3A_140 = arith.mulf %mul3A_138, %mul3A_139 : vector<64x1024xf32>
    %add3A_141 = vector.broadcast %dot_general3A_13 : vector<64x1xf32> to vector<64x1024xf32>
    %add3A_142 = arith.addf %mul3A_140, %add3A_141 : vector<64x1024xf32>
    %add3A_143 = arith.addf %add3A_134, %add3A_142 : vector<64x1024xf32>
    %get3A_144 = arith.constant 0 : index
    %get3A_145 = arith.constant 0 : index
    %get3A_146 = vector.load %arg16[%get3A_144, %get3A_145] : memref<64x16xf32, #tpu.memory_space<vmem>>, vector<64x16xf32>
    %get3A_147 = arith.constant 0 : index
    %get3A_148 = arith.constant 0 : index
    %get3A_149 = vector.load %arg3[%get3A_147, %get3A_148] : memref<16x4096xf32, #tpu.memory_space<vmem>>, vector<16x1024xf32>
    %dot_general3A_150 = arith.constant dense<0.000000e+00> : vector<64x1024xf32>
    %dot_general3A_151 = tpu.matmul %get3A_146, %get3A_149, %dot_general3A_150 {dimension_numbers = #tpu.dot_dimension_numbers<[1], [0], [0], [1], [0, 0, 1, 1], [], []>, transpose_lhs_hint = false} : vector<64x16xf32>, vector<16x1024xf32>, vector<64x1024xf32> -> vector<64x1024xf32>
    %add3A_152 = arith.addf %add3A_143, %dot_general3A_151 : vector<64x1024xf32>
    %get3A_153 = arith.constant 0 : index
    %get3A_154 = arith.constant 0 : index
    %get3A_155 = vector.load %arg17[%get3A_153, %get3A_154] : memref<64x16xf32, #tpu.memory_space<vmem>>, vector<64x16xf32>
    %get3A_156 = arith.constant 0 : index
    %get3A_157 = arith.constant 0 : index
    %get3A_158 = vector.load %arg4[%get3A_156, %get3A_157] : memref<16x4096xf32, #tpu.memory_space<vmem>>, vector<16x1024xf32>
    %dot_general3A_159 = arith.constant dense<0.000000e+00> : vector<64x1024xf32>
    %dot_general3A_160 = tpu.matmul %get3A_155, %get3A_158, %dot_general3A_159 {dimension_numbers = #tpu.dot_dimension_numbers<[1], [0], [0], [1], [0, 0, 1, 1], [], []>, transpose_lhs_hint = false} : vector<64x16xf32>, vector<16x1024xf32>, vector<64x1024xf32> -> vector<64x1024xf32>
    %add3A_161 = arith.addf %add3A_152, %dot_general3A_160 : vector<64x1024xf32>
    %get3A_162 = arith.constant 0 : index
    %get3A_163 = arith.constant 0 : index
    %get3A_164 = vector.load %arg18[%get3A_162, %get3A_163] : memref<64x1xf32, #tpu.memory_space<vmem>>, vector<64x1xf32>
    %add3A_165 = vector.broadcast %get3A_164 : vector<64x1xf32> to vector<64x1024xf32>
    %add3A_166 = arith.addf %add3A_161, %add3A_165 : vector<64x1024xf32>
    %swap3A = arith.constant 0 : index
    %swap3A_167 = arith.constant 0 : index
    %swap3A_168 = arith.constant 0 : index
    %swap3A_169 = vector.load %arg19[%swap3A, %swap3A_167, %swap3A_168] : memref<4x64x1024xf32, #tpu.memory_space<vmem>>, vector<1x64x1024xf32>
    %swap3A_170 = vector.shape_cast %swap3A_169 : vector<1x64x1024xf32> to vector<64x1024xf32>
    %swap3A_171 = vector.shape_cast %add3A_166 : vector<64x1024xf32> to vector<1x64x1024xf32>
    tpu.vector_store %arg19[%swap3A, %swap3A_167, %swap3A_168], %swap3A_171 {strides = array<i32>} : memref<4x64x1024xf32, #tpu.memory_space<vmem>>, vector<1x64x1024xf32>,
    %get3A_172 = arith.constant 0 : index
    %get3A_173 = arith.constant 1024 : index
    %get3A_174 = vector.load %arg5[%get3A_172, %get3A_173] : memref<4x4096xf32, #tpu.memory_space<vmem>>, vector<4x1024xf32>
    %slice3A_175 = vector.extract_strided_slice %get3A_174 {offsets = [0, 0], sizes = [1, 1024], strides = [1, 1]} : vector<4x1024xf32> to vector<1x1024xf32>
    %broadcast_in_dim3A_176 = vector.shape_cast %slice3A_175 : vector<1x1024xf32> to vector<1x1024xf32>
    %broadcast_in_dim3A_177 = vector.broadcast %broadcast_in_dim3A_176 : vector<1x1024xf32> to vector<8x1024xf32>
    %slice3A_178 = vector.extract_strided_slice %get3A_174 {offsets = [1, 0], sizes = [1, 1024], strides = [1, 1]} : vector<4x1024xf32> to vector<1x1024xf32>
    %broadcast_in_dim3A_179 = vector.shape_cast %slice3A_178 : vector<1x1024xf32> to vector<1x1024xf32>
    %broadcast_in_dim3A_180 = vector.broadcast %broadcast_in_dim3A_179 : vector<1x1024xf32> to vector<8x1024xf32>
    %slice3A_181 = vector.extract_strided_slice %get3A_174 {offsets = [2, 0], sizes = [1, 1024], strides = [1, 1]} : vector<4x1024xf32> to vector<1x1024xf32>
    %broadcast_in_dim3A_182 = vector.shape_cast %slice3A_181 : vector<1x1024xf32> to vector<1x1024xf32>
    %broadcast_in_dim3A_183 = vector.broadcast %broadcast_in_dim3A_182 : vector<1x1024xf32> to vector<8x1024xf32>
    %slice3A_184 = vector.extract_strided_slice %get3A_174 {offsets = [3, 0], sizes = [1, 1024], strides = [1, 1]} : vector<4x1024xf32> to vector<1x1024xf32>
    %broadcast_in_dim3A_185 = vector.shape_cast %slice3A_184 : vector<1x1024xf32> to vector<1x1024xf32>
    %broadcast_in_dim3A_186 = vector.broadcast %broadcast_in_dim3A_185 : vector<1x1024xf32> to vector<8x1024xf32>
    %concatenate3A_187 = tpu.concatenate %broadcast_in_dim3A_177, %broadcast_in_dim3A_180, %broadcast_in_dim3A_183, %broadcast_in_dim3A_186 in 0 : vector<8x1024xf32>, vector<8x1024xf32>, vector<8x1024xf32>, vector<8x1024xf32> -> vector<32x1024xf32>
    %get3A_188 = arith.constant 0 : index
    %get3A_189 = arith.constant 0 : index
    %get3A_190 = vector.load %arg8[%get3A_188, %get3A_189] : memref<32x1xf32, #tpu.memory_space<vmem>>, vector<32x1xf32>
    %mul3A_191 = vector.broadcast %get3A_190 : vector<32x1xf32> to vector<32x1024xf32>
    %mul3A_192 = arith.mulf %concatenate3A_187, %mul3A_191 : vector<32x1024xf32>
    %get3A_193 = arith.constant 0 : index
    %get3A_194 = arith.constant 0 : index
    %get3A_195 = vector.load %arg9[%get3A_193, %get3A_194] : memref<32x1xf32, #tpu.memory_space<vmem>>, vector<32x1xf32>
    %add3A_196 = vector.broadcast %get3A_195 : vector<32x1xf32> to vector<32x1024xf32>
    %add3A_197 = arith.addf %mul3A_192, %add3A_196 : vector<32x1024xf32>
    %iota3A_198 = tpu.iota {dimensions = array<i32: 0>} : vector<32x1024xi32>
    %jit3A_199 = arith.constant 8 : i32
    %eq3A_200 = arith.constant 0 : i32
    %eq3A_201 = arith.cmpi eq, %jit3A_199, %eq3A_200 : i32
    %jit3A_202 = arith.constant 1 : i32
    %select_n3A_203 = arith.select %eq3A_201, %jit3A_202, %jit3A_199 : i32
    %rem3A_204 = vector.broadcast %select_n3A_203 : i32 to vector<32x1024xi32>
    %rem3A_205 = arith.remsi %iota3A_198, %rem3A_204 : vector<32x1024xi32>
    %ne3A_206 = arith.constant 0 : i32
    %ne3A_207 = vector.broadcast %ne3A_206 : i32 to vector<32x1024xi32>
    %ne3A_208 = arith.cmpi ne, %rem3A_205, %ne3A_207 : vector<32x1024xi32>
    %lt3A_209 = arith.constant 0 : i32
    %lt3A_210 = vector.broadcast %lt3A_209 : i32 to vector<32x1024xi32>
    %lt3A_211 = arith.cmpi slt, %rem3A_205, %lt3A_210 : vector<32x1024xi32>
    %lt3A_212 = arith.constant 0 : i32
    %lt3A_213 = arith.cmpi slt, %select_n3A_203, %lt3A_212 : i32
    %ne3A_214 = vector.broadcast %lt3A_213 : i1 to vector<32x1024xi1>
    %ne3A_215 = vector.broadcast %ne3A_214 : vector<32x1024xi1> to vector<32x1024xi1>
    %ne3A_216 = arith.xori %lt3A_211, %ne3A_215 : vector<32x1024xi1>
    %and3A_217 = arith.andi %ne3A_216, %ne3A_208 : vector<32x1024xi1>
    %add3A_218 = vector.broadcast %select_n3A_203 : i32 to vector<32x1024xi32>
    %add3A_219 = arith.addi %rem3A_205, %add3A_218 : vector<32x1024xi32>
    %select_n3A_220 = arith.select %and3A_217, %add3A_219, %rem3A_205 : vector<32x1024xi1>, vector<32x1024xi32>
    %eq3A_221 = arith.constant 0 : i32
    %eq3A_222 = vector.broadcast %eq3A_221 : i32 to vector<32x1024xi32>
    %eq3A_223 = arith.cmpi eq, %select_n3A_220, %eq3A_222 : vector<32x1024xi32>
    %mul3A_224 = arith.constant 0.318309873 : f32
    %mul3A_225 = vector.broadcast %mul3A_224 : f32 to vector<32x1024xf32>
    %mul3A_226 = arith.mulf %add3A_197, %mul3A_225 : vector<32x1024xf32>
    %round3A_227 = math.roundeven %mul3A_226 : vector<32x1024xf32>
    %mul3A_228 = arith.constant 3.14159274 : f32
    %mul3A_229 = vector.broadcast %mul3A_228 : f32 to vector<32x1024xf32>
    %mul3A_230 = arith.mulf %round3A_227, %mul3A_229 : vector<32x1024xf32>
    %sub3A_231 = arith.subf %add3A_197, %mul3A_230 : vector<32x1024xf32>
    %mul3A_232 = arith.constant -8.74227765E-8 : f32
    %mul3A_233 = vector.broadcast %mul3A_232 : f32 to vector<32x1024xf32>
    %mul3A_234 = arith.mulf %round3A_227, %mul3A_233 : vector<32x1024xf32>
    %sub3A_235 = arith.subf %sub3A_231, %mul3A_234 : vector<32x1024xf32>
    %jit3A_236 = arith.constant -1.600000e+00 : f32
    %jit3A_237 = arith.constant 1.600000e+00 : f32
    %max3A_238 = vector.broadcast %jit3A_236 : f32 to vector<32x1024xf32>
    %max3A_239 = arith.maximumf %max3A_238, %sub3A_235 : vector<32x1024xf32>
    %min3A_240 = vector.broadcast %jit3A_237 : f32 to vector<32x1024xf32>
    %min3A_241 = arith.minimumf %min3A_240, %max3A_239 : vector<32x1024xf32>
    %mul3A_242 = arith.mulf %min3A_241, %min3A_241 : vector<32x1024xf32>
    %mul3A_243 = arith.constant -2.50507579E-8 : f32
    %mul3A_244 = vector.broadcast %mul3A_243 : f32 to vector<32x1024xf32>
    %mul3A_245 = arith.mulf %mul3A_244, %mul3A_242 : vector<32x1024xf32>
    %add3A_246 = arith.constant 2.75573143E-6 : f32
    %add3A_247 = vector.broadcast %add3A_246 : f32 to vector<32x1024xf32>
    %add3A_248 = arith.addf %mul3A_245, %add3A_247 : vector<32x1024xf32>
    %mul3A_249 = arith.mulf %add3A_248, %mul3A_242 : vector<32x1024xf32>
    %add3A_250 = arith.constant -1.98412701E-4 : f32
    %add3A_251 = vector.broadcast %add3A_250 : f32 to vector<32x1024xf32>
    %add3A_252 = arith.addf %mul3A_249, %add3A_251 : vector<32x1024xf32>
    %mul3A_253 = arith.mulf %add3A_252, %mul3A_242 : vector<32x1024xf32>
    %add3A_254 = arith.constant 0.00833333377 : f32
    %add3A_255 = vector.broadcast %add3A_254 : f32 to vector<32x1024xf32>
    %add3A_256 = arith.addf %mul3A_253, %add3A_255 : vector<32x1024xf32>
    %mul3A_257 = arith.mulf %add3A_256, %mul3A_242 : vector<32x1024xf32>
    %add3A_258 = arith.constant -0.166666672 : f32
    %add3A_259 = vector.broadcast %add3A_258 : f32 to vector<32x1024xf32>
    %add3A_260 = arith.addf %mul3A_257, %add3A_259 : vector<32x1024xf32>
    %mul3A_261 = arith.mulf %mul3A_242, %add3A_260 : vector<32x1024xf32>
    %mul3A_262 = arith.mulf %min3A_241, %mul3A_261 : vector<32x1024xf32>
    %add3A_263 = arith.addf %min3A_241, %mul3A_262 : vector<32x1024xf32>
    %mul3A_264 = arith.constant 5.000000e-01 : f32
    %mul3A_265 = vector.broadcast %mul3A_264 : f32 to vector<32x1024xf32>
    %mul3A_266 = arith.mulf %round3A_227, %mul3A_265 : vector<32x1024xf32>
    %round3A_267 = math.roundeven %mul3A_266 : vector<32x1024xf32>
    %mul3A_268 = arith.constant 2.000000e+00 : f32
    %mul3A_269 = vector.broadcast %mul3A_268 : f32 to vector<32x1024xf32>
    %mul3A_270 = arith.mulf %round3A_267, %mul3A_269 : vector<32x1024xf32>
    %ne3A_271 = arith.cmpf one, %mul3A_270, %round3A_227 : vector<32x1024xf32>
    %neg3A_272 = arith.constant 0.000000e+00 : f32
    %neg3A_273 = vector.broadcast %neg3A_272 : f32 to vector<32x1024xf32>
    %neg3A_274 = arith.subf %neg3A_273, %add3A_263 : vector<32x1024xf32>
    %select_n3A_275 = arith.select %ne3A_271, %neg3A_274, %add3A_263 : vector<32x1024xi1>, vector<32x1024xf32>
    %select_n3A_276 = arith.select %eq3A_223, %add3A_197, %select_n3A_275 : vector<32x1024xi1>, vector<32x1024xf32>
    %get3A_277 = arith.constant 1 : index
    %get3A_278 = arith.constant 0 : index
    %get3A_279 = arith.constant 0 : index
    %get3A_280 = vector.load %arg7[%get3A_277, %get3A_278, %get3A_279] : memref<4x1x1024xf32, #tpu.memory_space<vmem>>, vector<1x1x1024xf32>
    %get3A_281 = vector.shape_cast %get3A_280 : vector<1x1x1024xf32> to vector<1x1024xf32>
    %reduce_sum3A_282 = vector.shape_cast %get3A_281 : vector<1x1024xf32> to vector<1x1x1024xf32>
    %reduce_sum3A_283 = arith.constant dense<0.000000e+00> : vector<1xf32>
    %reduce_sum3A_284 = vector.multi_reduction <add>, %reduce_sum3A_282, %reduce_sum3A_283 [1, 2] : vector<1x1x1024xf32> to vector<1xf32>
    %reduce_sum3A_285 = vector.shape_cast %reduce_sum3A_284 : vector<1xf32> to vector<1x1x1xf32>
    %reduce_sum3A_286 = vector.extract %reduce_sum3A_285[0, 0, 0] : f32 from vector<1x1x1xf32>
    %get3A_287 = arith.constant 0 : index
    %get3A_288 = arith.constant 0 : index
    %get3A_289 = vector.load %arg12[%get3A_287, %get3A_288] : memref<64x128xf32, #tpu.memory_space<vmem>>, vector<64x128xf32>
    %get3A_290 = arith.constant 1024 : index
    %get3A_291 = arith.constant 0 : index
    %get3A_292 = vector.load %arg1[%get3A_290, %get3A_291] : memref<4096x128xf32, #tpu.memory_space<vmem>>, vector<1024x128xf32>
    %dot_general3A_293 = arith.constant dense<0.000000e+00> : vector<64x1024xf32>
    %dot_general3A_294 = tpu.matmul %get3A_289, %get3A_292, %dot_general3A_293 {dimension_numbers = #tpu.dot_dimension_numbers<[1], [1], [0], [0], [0, 0, 1, 0], [], []>, transpose_lhs_hint = false} : vector<64x128xf32>, vector<1024x128xf32>, vector<64x1024xf32> -> vector<64x1024xf32>
    %get3A_295 = arith.constant 0 : index
    %get3A_296 = arith.constant 0 : index
    %get3A_297 = vector.load %arg13[%get3A_295, %get3A_296] : memref<64x32xf32, #tpu.memory_space<vmem>>, vector<64x32xf32>
    %dot_general3A_298 = arith.constant dense<0.000000e+00> : vector<64x1024xf32>
    %dot_general3A_299 = tpu.matmul %get3A_297, %select_n3A_276, %dot_general3A_298 {dimension_numbers = #tpu.dot_dimension_numbers<[1], [0], [0], [1], [0, 0, 1, 1], [], []>, transpose_lhs_hint = false} : vector<64x32xf32>, vector<32x1024xf32>, vector<64x1024xf32> -> vector<64x1024xf32>
    %add3A_300 = arith.addf %dot_general3A_294, %dot_general3A_299 : vector<64x1024xf32>
    %get3A_301 = arith.constant 0 : index
    %get3A_302 = arith.constant 0 : index
    %get3A_303 = vector.load %arg14[%get3A_301, %get3A_302] : memref<64x16xf32, #tpu.memory_space<vmem>>, vector<64x16xf32>
    %get3A_304 = arith.constant 0 : index
    %get3A_305 = arith.constant 1024 : index
    %get3A_306 = vector.load %arg2[%get3A_304, %get3A_305] : memref<16x4096xf32, #tpu.memory_space<vmem>>, vector<16x1024xf32>
    %dot_general3A_307 = arith.constant dense<0.000000e+00> : vector<64x1024xf32>
    %dot_general3A_308 = tpu.matmul %get3A_303, %get3A_306, %dot_general3A_307 {dimension_numbers = #tpu.dot_dimension_numbers<[1], [0], [0], [1], [0, 0, 1, 1], [], []>, transpose_lhs_hint = false} : vector<64x16xf32>, vector<16x1024xf32>, vector<64x1024xf32> -> vector<64x1024xf32>
    %mul3A_309 = vector.broadcast %reduce_sum3A_286 : f32 to vector<64x1024xf32>
    %mul3A_310 = arith.mulf %dot_general3A_308, %mul3A_309 : vector<64x1024xf32>
    %add3A_311 = arith.addf %add3A_300, %mul3A_310 : vector<64x1024xf32>
    %get3A_312 = arith.constant 0 : index
    %get3A_313 = arith.constant 1024 : index
    %get3A_314 = vector.load %arg6[%get3A_312, %get3A_313] : memref<1x4096xf32, #tpu.memory_space<vmem>>, vector<1x1024xf32>
    %mul3A_315 = vector.broadcast %dot_general3A_5 : vector<64x1xf32> to vector<64x1024xf32>
    %mul3A_316 = vector.broadcast %get3A_314 : vector<1x1024xf32> to vector<64x1024xf32>
    %mul3A_317 = arith.mulf %mul3A_315, %mul3A_316 : vector<64x1024xf32>
    %add3A_318 = vector.broadcast %dot_general3A_13 : vector<64x1xf32> to vector<64x1024xf32>
    %add3A_319 = arith.addf %mul3A_317, %add3A_318 : vector<64x1024xf32>
    %add3A_320 = arith.addf %add3A_311, %add3A_319 : vector<64x1024xf32>
    %get3A_321 = arith.constant 0 : index
    %get3A_322 = arith.constant 0 : index
    %get3A_323 = vector.load %arg16[%get3A_321, %get3A_322] : memref<64x16xf32, #tpu.memory_space<vmem>>, vector<64x16xf32>
    %get3A_324 = arith.constant 0 : index
    %get3A_325 = arith.constant 1024 : index
    %get3A_326 = vector.load %arg3[%get3A_324, %get3A_325] : memref<16x4096xf32, #tpu.memory_space<vmem>>, vector<16x1024xf32>
    %dot_general3A_327 = arith.constant dense<0.000000e+00> : vector<64x1024xf32>
    %dot_general3A_328 = tpu.matmul %get3A_323, %get3A_326, %dot_general3A_327 {dimension_numbers = #tpu.dot_dimension_numbers<[1], [0], [0], [1], [0, 0, 1, 1], [], []>, transpose_lhs_hint = false} : vector<64x16xf32>, vector<16x1024xf32>, vector<64x1024xf32> -> vector<64x1024xf32>
    %add3A_329 = arith.addf %add3A_320, %dot_general3A_328 : vector<64x1024xf32>
    %get3A_330 = arith.constant 0 : index
    %get3A_331 = arith.constant 0 : index
    %get3A_332 = vector.load %arg17[%get3A_330, %get3A_331] : memref<64x16xf32, #tpu.memory_space<vmem>>, vector<64x16xf32>
    %get3A_333 = arith.constant 0 : index
    %get3A_334 = arith.constant 1024 : index
    %get3A_335 = vector.load %arg4[%get3A_333, %get3A_334] : memref<16x4096xf32, #tpu.memory_space<vmem>>, vector<16x1024xf32>
    %dot_general3A_336 = arith.constant dense<0.000000e+00> : vector<64x1024xf32>
    %dot_general3A_337 = tpu.matmul %get3A_332, %get3A_335, %dot_general3A_336 {dimension_numbers = #tpu.dot_dimension_numbers<[1], [0], [0], [1], [0, 0, 1, 1], [], []>, transpose_lhs_hint = false} : vector<64x16xf32>, vector<16x1024xf32>, vector<64x1024xf32> -> vector<64x1024xf32>
    %add3A_338 = arith.addf %add3A_329, %dot_general3A_337 : vector<64x1024xf32>
    %get3A_339 = arith.constant 0 : index
    %get3A_340 = arith.constant 0 : index
    %get3A_341 = vector.load %arg18[%get3A_339, %get3A_340] : memref<64x1xf32, #tpu.memory_space<vmem>>, vector<64x1xf32>
    %add3A_342 = vector.broadcast %get3A_341 : vector<64x1xf32> to vector<64x1024xf32>
    %add3A_343 = arith.addf %add3A_338, %add3A_342 : vector<64x1024xf32>
    %swap3A_344 = arith.constant 1 : index
    %swap3A_345 = arith.constant 0 : index
    %swap3A_346 = arith.constant 0 : index
    %swap3A_347 = vector.load %arg19[%swap3A_344, %swap3A_345, %swap3A_346] : memref<4x64x1024xf32, #tpu.memory_space<vmem>>, vector<1x64x1024xf32>
    %swap3A_348 = vector.shape_cast %swap3A_347 : vector<1x64x1024xf32> to vector<64x1024xf32>
    %swap3A_349 = vector.shape_cast %add3A_343 : vector<64x1024xf32> to vector<1x64x1024xf32>
    tpu.vector_store %arg19[%swap3A_344, %swap3A_345, %swap3A_346], %swap3A_349 {strides = array<i32>} : memref<4x64x1024xf32, #tpu.memory_space<vmem>>, vector<1x64x1024xf32>,
    %get3A_350 = arith.constant 0 : index
    %get3A_351 = arith.constant 2048 : index
    %get3A_352 = vector.load %arg5[%get3A_350, %get3A_351] : memref<4x4096xf32, #tpu.memory_space<vmem>>, vector<4x1024xf32>
    %slice3A_353 = vector.extract_strided_slice %get3A_352 {offsets = [0, 0], sizes = [1, 1024], strides = [1, 1]} : vector<4x1024xf32> to vector<1x1024xf32>
    %broadcast_in_dim3A_354 = vector.shape_cast %slice3A_353 : vector<1x1024xf32> to vector<1x1024xf32>
    %broadcast_in_dim3A_355 = vector.broadcast %broadcast_in_dim3A_354 : vector<1x1024xf32> to vector<8x1024xf32>
    %slice3A_356 = vector.extract_strided_slice %get3A_352 {offsets = [1, 0], sizes = [1, 1024], strides = [1, 1]} : vector<4x1024xf32> to vector<1x1024xf32>
    %broadcast_in_dim3A_357 = vector.shape_cast %slice3A_356 : vector<1x1024xf32> to vector<1x1024xf32>
    %broadcast_in_dim3A_358 = vector.broadcast %broadcast_in_dim3A_357 : vector<1x1024xf32> to vector<8x1024xf32>
    %slice3A_359 = vector.extract_strided_slice %get3A_352 {offsets = [2, 0], sizes = [1, 1024], strides = [1, 1]} : vector<4x1024xf32> to vector<1x1024xf32>
    %broadcast_in_dim3A_360 = vector.shape_cast %slice3A_359 : vector<1x1024xf32> to vector<1x1024xf32>
    %broadcast_in_dim3A_361 = vector.broadcast %broadcast_in_dim3A_360 : vector<1x1024xf32> to vector<8x1024xf32>
    %slice3A_362 = vector.extract_strided_slice %get3A_352 {offsets = [3, 0], sizes = [1, 1024], strides = [1, 1]} : vector<4x1024xf32> to vector<1x1024xf32>
    %broadcast_in_dim3A_363 = vector.shape_cast %slice3A_362 : vector<1x1024xf32> to vector<1x1024xf32>
    %broadcast_in_dim3A_364 = vector.broadcast %broadcast_in_dim3A_363 : vector<1x1024xf32> to vector<8x1024xf32>
    %concatenate3A_365 = tpu.concatenate %broadcast_in_dim3A_355, %broadcast_in_dim3A_358, %broadcast_in_dim3A_361, %broadcast_in_dim3A_364 in 0 : vector<8x1024xf32>, vector<8x1024xf32>, vector<8x1024xf32>, vector<8x1024xf32> -> vector<32x1024xf32>
    %get3A_366 = arith.constant 0 : index
    %get3A_367 = arith.constant 0 : index
    %get3A_368 = vector.load %arg8[%get3A_366, %get3A_367] : memref<32x1xf32, #tpu.memory_space<vmem>>, vector<32x1xf32>
    %mul3A_369 = vector.broadcast %get3A_368 : vector<32x1xf32> to vector<32x1024xf32>
    %mul3A_370 = arith.mulf %concatenate3A_365, %mul3A_369 : vector<32x1024xf32>
    %get3A_371 = arith.constant 0 : index
    %get3A_372 = arith.constant 0 : index
    %get3A_373 = vector.load %arg9[%get3A_371, %get3A_372] : memref<32x1xf32, #tpu.memory_space<vmem>>, vector<32x1xf32>
    %add3A_374 = vector.broadcast %get3A_373 : vector<32x1xf32> to vector<32x1024xf32>
    %add3A_375 = arith.addf %mul3A_370, %add3A_374 : vector<32x1024xf32>
    %iota3A_376 = tpu.iota {dimensions = array<i32: 0>} : vector<32x1024xi32>
    %jit3A_377 = arith.constant 8 : i32
    %eq3A_378 = arith.constant 0 : i32
    %eq3A_379 = arith.cmpi eq, %jit3A_377, %eq3A_378 : i32
    %jit3A_380 = arith.constant 1 : i32
    %select_n3A_381 = arith.select %eq3A_379, %jit3A_380, %jit3A_377 : i32
    %rem3A_382 = vector.broadcast %select_n3A_381 : i32 to vector<32x1024xi32>
    %rem3A_383 = arith.remsi %iota3A_376, %rem3A_382 : vector<32x1024xi32>
    %ne3A_384 = arith.constant 0 : i32
    %ne3A_385 = vector.broadcast %ne3A_384 : i32 to vector<32x1024xi32>
    %ne3A_386 = arith.cmpi ne, %rem3A_383, %ne3A_385 : vector<32x1024xi32>
    %lt3A_387 = arith.constant 0 : i32
    %lt3A_388 = vector.broadcast %lt3A_387 : i32 to vector<32x1024xi32>
    %lt3A_389 = arith.cmpi slt, %rem3A_383, %lt3A_388 : vector<32x1024xi32>
    %lt3A_390 = arith.constant 0 : i32
    %lt3A_391 = arith.cmpi slt, %select_n3A_381, %lt3A_390 : i32
    %ne3A_392 = vector.broadcast %lt3A_391 : i1 to vector<32x1024xi1>
    %ne3A_393 = vector.broadcast %ne3A_392 : vector<32x1024xi1> to vector<32x1024xi1>
    %ne3A_394 = arith.xori %lt3A_389, %ne3A_393 : vector<32x1024xi1>
    %and3A_395 = arith.andi %ne3A_394, %ne3A_386 : vector<32x1024xi1>
    %add3A_396 = vector.broadcast %select_n3A_381 : i32 to vector<32x1024xi32>
    %add3A_397 = arith.addi %rem3A_383, %add3A_396 : vector<32x1024xi32>
    %select_n3A_398 = arith.select %and3A_395, %add3A_397, %rem3A_383 : vector<32x1024xi1>, vector<32x1024xi32>
    %eq3A_399 = arith.constant 0 : i32
    %eq3A_400 = vector.broadcast %eq3A_399 : i32 to vector<32x1024xi32>
    %eq3A_401 = arith.cmpi eq, %select_n3A_398, %eq3A_400 : vector<32x1024xi32>
    %mul3A_402 = arith.constant 0.318309873 : f32
    %mul3A_403 = vector.broadcast %mul3A_402 : f32 to vector<32x1024xf32>
    %mul3A_404 = arith.mulf %add3A_375, %mul3A_403 : vector<32x1024xf32>
    %round3A_405 = math.roundeven %mul3A_404 : vector<32x1024xf32>
    %mul3A_406 = arith.constant 3.14159274 : f32
    %mul3A_407 = vector.broadcast %mul3A_406 : f32 to vector<32x1024xf32>
    %mul3A_408 = arith.mulf %round3A_405, %mul3A_407 : vector<32x1024xf32>
    %sub3A_409 = arith.subf %add3A_375, %mul3A_408 : vector<32x1024xf32>
    %mul3A_410 = arith.constant -8.74227765E-8 : f32
    %mul3A_411 = vector.broadcast %mul3A_410 : f32 to vector<32x1024xf32>
    %mul3A_412 = arith.mulf %round3A_405, %mul3A_411 : vector<32x1024xf32>
    %sub3A_413 = arith.subf %sub3A_409, %mul3A_412 : vector<32x1024xf32>
    %jit3A_414 = arith.constant -1.600000e+00 : f32
    %jit3A_415 = arith.constant 1.600000e+00 : f32
    %max3A_416 = vector.broadcast %jit3A_414 : f32 to vector<32x1024xf32>
    %max3A_417 = arith.maximumf %max3A_416, %sub3A_413 : vector<32x1024xf32>
    %min3A_418 = vector.broadcast %jit3A_415 : f32 to vector<32x1024xf32>
    %min3A_419 = arith.minimumf %min3A_418, %max3A_417 : vector<32x1024xf32>
    %mul3A_420 = arith.mulf %min3A_419, %min3A_419 : vector<32x1024xf32>
    %mul3A_421 = arith.constant -2.50507579E-8 : f32
    %mul3A_422 = vector.broadcast %mul3A_421 : f32 to vector<32x1024xf32>
    %mul3A_423 = arith.mulf %mul3A_422, %mul3A_420 : vector<32x1024xf32>
    %add3A_424 = arith.constant 2.75573143E-6 : f32
    %add3A_425 = vector.broadcast %add3A_424 : f32 to vector<32x1024xf32>
    %add3A_426 = arith.addf %mul3A_423, %add3A_425 : vector<32x1024xf32>
    %mul3A_427 = arith.mulf %add3A_426, %mul3A_420 : vector<32x1024xf32>
    %add3A_428 = arith.constant -1.98412701E-4 : f32
    %add3A_429 = vector.broadcast %add3A_428 : f32 to vector<32x1024xf32>
    %add3A_430 = arith.addf %mul3A_427, %add3A_429 : vector<32x1024xf32>
    %mul3A_431 = arith.mulf %add3A_430, %mul3A_420 : vector<32x1024xf32>
    %add3A_432 = arith.constant 0.00833333377 : f32
    %add3A_433 = vector.broadcast %add3A_432 : f32 to vector<32x1024xf32>
    %add3A_434 = arith.addf %mul3A_431, %add3A_433 : vector<32x1024xf32>
    %mul3A_435 = arith.mulf %add3A_434, %mul3A_420 : vector<32x1024xf32>
    %add3A_436 = arith.constant -0.166666672 : f32
    %add3A_437 = vector.broadcast %add3A_436 : f32 to vector<32x1024xf32>
    %add3A_438 = arith.addf %mul3A_435, %add3A_437 : vector<32x1024xf32>
    %mul3A_439 = arith.mulf %mul3A_420, %add3A_438 : vector<32x1024xf32>
    %mul3A_440 = arith.mulf %min3A_419, %mul3A_439 : vector<32x1024xf32>
    %add3A_441 = arith.addf %min3A_419, %mul3A_440 : vector<32x1024xf32>
    %mul3A_442 = arith.constant 5.000000e-01 : f32
    %mul3A_443 = vector.broadcast %mul3A_442 : f32 to vector<32x1024xf32>
    %mul3A_444 = arith.mulf %round3A_405, %mul3A_443 : vector<32x1024xf32>
    %round3A_445 = math.roundeven %mul3A_444 : vector<32x1024xf32>
    %mul3A_446 = arith.constant 2.000000e+00 : f32
    %mul3A_447 = vector.broadcast %mul3A_446 : f32 to vector<32x1024xf32>
    %mul3A_448 = arith.mulf %round3A_445, %mul3A_447 : vector<32x1024xf32>
    %ne3A_449 = arith.cmpf one, %mul3A_448, %round3A_405 : vector<32x1024xf32>
    %neg3A_450 = arith.constant 0.000000e+00 : f32
    %neg3A_451 = vector.broadcast %neg3A_450 : f32 to vector<32x1024xf32>
    %neg3A_452 = arith.subf %neg3A_451, %add3A_441 : vector<32x1024xf32>
    %select_n3A_453 = arith.select %ne3A_449, %neg3A_452, %add3A_441 : vector<32x1024xi1>, vector<32x1024xf32>
    %select_n3A_454 = arith.select %eq3A_401, %add3A_375, %select_n3A_453 : vector<32x1024xi1>, vector<32x1024xf32>
    %get3A_455 = arith.constant 2 : index
    %get3A_456 = arith.constant 0 : index
    %get3A_457 = arith.constant 0 : index
    %get3A_458 = vector.load %arg7[%get3A_455, %get3A_456, %get3A_457] : memref<4x1x1024xf32, #tpu.memory_space<vmem>>, vector<1x1x1024xf32>
    %get3A_459 = vector.shape_cast %get3A_458 : vector<1x1x1024xf32> to vector<1x1024xf32>
    %reduce_sum3A_460 = vector.shape_cast %get3A_459 : vector<1x1024xf32> to vector<1x1x1024xf32>
    %reduce_sum3A_461 = arith.constant dense<0.000000e+00> : vector<1xf32>
    %reduce_sum3A_462 = vector.multi_reduction <add>, %reduce_sum3A_460, %reduce_sum3A_461 [1, 2] : vector<1x1x1024xf32> to vector<1xf32>
    %reduce_sum3A_463 = vector.shape_cast %reduce_sum3A_462 : vector<1xf32> to vector<1x1x1xf32>
    %reduce_sum3A_464 = vector.extract %reduce_sum3A_463[0, 0, 0] : f32 from vector<1x1x1xf32>
    %get3A_465 = arith.constant 0 : index
    %get3A_466 = arith.constant 0 : index
    %get3A_467 = vector.load %arg12[%get3A_465, %get3A_466] : memref<64x128xf32, #tpu.memory_space<vmem>>, vector<64x128xf32>
    %get3A_468 = arith.constant 2048 : index
    %get3A_469 = arith.constant 0 : index
    %get3A_470 = vector.load %arg1[%get3A_468, %get3A_469] : memref<4096x128xf32, #tpu.memory_space<vmem>>, vector<1024x128xf32>
    %dot_general3A_471 = arith.constant dense<0.000000e+00> : vector<64x1024xf32>
    %dot_general3A_472 = tpu.matmul %get3A_467, %get3A_470, %dot_general3A_471 {dimension_numbers = #tpu.dot_dimension_numbers<[1], [1], [0], [0], [0, 0, 1, 0], [], []>, transpose_lhs_hint = false} : vector<64x128xf32>, vector<1024x128xf32>, vector<64x1024xf32> -> vector<64x1024xf32>
    %get3A_473 = arith.constant 0 : index
    %get3A_474 = arith.constant 0 : index
    %get3A_475 = vector.load %arg13[%get3A_473, %get3A_474] : memref<64x32xf32, #tpu.memory_space<vmem>>, vector<64x32xf32>
    %dot_general3A_476 = arith.constant dense<0.000000e+00> : vector<64x1024xf32>
    %dot_general3A_477 = tpu.matmul %get3A_475, %select_n3A_454, %dot_general3A_476 {dimension_numbers = #tpu.dot_dimension_numbers<[1], [0], [0], [1], [0, 0, 1, 1], [], []>, transpose_lhs_hint = false} : vector<64x32xf32>, vector<32x1024xf32>, vector<64x1024xf32> -> vector<64x1024xf32>
    %add3A_478 = arith.addf %dot_general3A_472, %dot_general3A_477 : vector<64x1024xf32>
    %get3A_479 = arith.constant 0 : index
    %get3A_480 = arith.constant 0 : index
    %get3A_481 = vector.load %arg14[%get3A_479, %get3A_480] : memref<64x16xf32, #tpu.memory_space<vmem>>, vector<64x16xf32>
    %get3A_482 = arith.constant 0 : index
    %get3A_483 = arith.constant 2048 : index
    %get3A_484 = vector.load %arg2[%get3A_482, %get3A_483] : memref<16x4096xf32, #tpu.memory_space<vmem>>, vector<16x1024xf32>
    %dot_general3A_485 = arith.constant dense<0.000000e+00> : vector<64x1024xf32>
    %dot_general3A_486 = tpu.matmul %get3A_481, %get3A_484, %dot_general3A_485 {dimension_numbers = #tpu.dot_dimension_numbers<[1], [0], [0], [1], [0, 0, 1, 1], [], []>, transpose_lhs_hint = false} : vector<64x16xf32>, vector<16x1024xf32>, vector<64x1024xf32> -> vector<64x1024xf32>
    %mul3A_487 = vector.broadcast %reduce_sum3A_464 : f32 to vector<64x1024xf32>
    %mul3A_488 = arith.mulf %dot_general3A_486, %mul3A_487 : vector<64x1024xf32>
    %add3A_489 = arith.addf %add3A_478, %mul3A_488 : vector<64x1024xf32>
    %get3A_490 = arith.constant 0 : index
    %get3A_491 = arith.constant 2048 : index
    %get3A_492 = vector.load %arg6[%get3A_490, %get3A_491] : memref<1x4096xf32, #tpu.memory_space<vmem>>, vector<1x1024xf32>
    %mul3A_493 = vector.broadcast %dot_general3A_5 : vector<64x1xf32> to vector<64x1024xf32>
    %mul3A_494 = vector.broadcast %get3A_492 : vector<1x1024xf32> to vector<64x1024xf32>
    %mul3A_495 = arith.mulf %mul3A_493, %mul3A_494 : vector<64x1024xf32>
    %add3A_496 = vector.broadcast %dot_general3A_13 : vector<64x1xf32> to vector<64x1024xf32>
    %add3A_497 = arith.addf %mul3A_495, %add3A_496 : vector<64x1024xf32>
    %add3A_498 = arith.addf %add3A_489, %add3A_497 : vector<64x1024xf32>
    %get3A_499 = arith.constant 0 : index
    %get3A_500 = arith.constant 0 : index
    %get3A_501 = vector.load %arg16[%get3A_499, %get3A_500] : memref<64x16xf32, #tpu.memory_space<vmem>>, vector<64x16xf32>
    %get3A_502 = arith.constant 0 : index
    %get3A_503 = arith.constant 2048 : index
    %get3A_504 = vector.load %arg3[%get3A_502, %get3A_503] : memref<16x4096xf32, #tpu.memory_space<vmem>>, vector<16x1024xf32>
    %dot_general3A_505 = arith.constant dense<0.000000e+00> : vector<64x1024xf32>
    %dot_general3A_506 = tpu.matmul %get3A_501, %get3A_504, %dot_general3A_505 {dimension_numbers = #tpu.dot_dimension_numbers<[1], [0], [0], [1], [0, 0, 1, 1], [], []>, transpose_lhs_hint = false} : vector<64x16xf32>, vector<16x1024xf32>, vector<64x1024xf32> -> vector<64x1024xf32>
    %add3A_507 = arith.addf %add3A_498, %dot_general3A_506 : vector<64x1024xf32>
    %get3A_508 = arith.constant 0 : index
    %get3A_509 = arith.constant 0 : index
    %get3A_510 = vector.load %arg17[%get3A_508, %get3A_509] : memref<64x16xf32, #tpu.memory_space<vmem>>, vector<64x16xf32>
    %get3A_511 = arith.constant 0 : index
    %get3A_512 = arith.constant 2048 : index
    %get3A_513 = vector.load %arg4[%get3A_511, %get3A_512] : memref<16x4096xf32, #tpu.memory_space<vmem>>, vector<16x1024xf32>
    %dot_general3A_514 = arith.constant dense<0.000000e+00> : vector<64x1024xf32>
    %dot_general3A_515 = tpu.matmul %get3A_510, %get3A_513, %dot_general3A_514 {dimension_numbers = #tpu.dot_dimension_numbers<[1], [0], [0], [1], [0, 0, 1, 1], [], []>, transpose_lhs_hint = false} : vector<64x16xf32>, vector<16x1024xf32>, vector<64x1024xf32> -> vector<64x1024xf32>
    %add3A_516 = arith.addf %add3A_507, %dot_general3A_515 : vector<64x1024xf32>
    %get3A_517 = arith.constant 0 : index
    %get3A_518 = arith.constant 0 : index
    %get3A_519 = vector.load %arg18[%get3A_517, %get3A_518] : memref<64x1xf32, #tpu.memory_space<vmem>>, vector<64x1xf32>
    %add3A_520 = vector.broadcast %get3A_519 : vector<64x1xf32> to vector<64x1024xf32>
    %add3A_521 = arith.addf %add3A_516, %add3A_520 : vector<64x1024xf32>
    %swap3A_522 = arith.constant 2 : index
    %swap3A_523 = arith.constant 0 : index
    %swap3A_524 = arith.constant 0 : index
    %swap3A_525 = vector.load %arg19[%swap3A_522, %swap3A_523, %swap3A_524] : memref<4x64x1024xf32, #tpu.memory_space<vmem>>, vector<1x64x1024xf32>
    %swap3A_526 = vector.shape_cast %swap3A_525 : vector<1x64x1024xf32> to vector<64x1024xf32>
    %swap3A_527 = vector.shape_cast %add3A_521 : vector<64x1024xf32> to vector<1x64x1024xf32>
    tpu.vector_store %arg19[%swap3A_522, %swap3A_523, %swap3A_524], %swap3A_527 {strides = array<i32>} : memref<4x64x1024xf32, #tpu.memory_space<vmem>>, vector<1x64x1024xf32>,
    %get3A_528 = arith.constant 0 : index
    %get3A_529 = arith.constant 3072 : index
    %get3A_530 = vector.load %arg5[%get3A_528, %get3A_529] : memref<4x4096xf32, #tpu.memory_space<vmem>>, vector<4x1024xf32>
    %slice3A_531 = vector.extract_strided_slice %get3A_530 {offsets = [0, 0], sizes = [1, 1024], strides = [1, 1]} : vector<4x1024xf32> to vector<1x1024xf32>
    %broadcast_in_dim3A_532 = vector.shape_cast %slice3A_531 : vector<1x1024xf32> to vector<1x1024xf32>
    %broadcast_in_dim3A_533 = vector.broadcast %broadcast_in_dim3A_532 : vector<1x1024xf32> to vector<8x1024xf32>
    %slice3A_534 = vector.extract_strided_slice %get3A_530 {offsets = [1, 0], sizes = [1, 1024], strides = [1, 1]} : vector<4x1024xf32> to vector<1x1024xf32>
    %broadcast_in_dim3A_535 = vector.shape_cast %slice3A_534 : vector<1x1024xf32> to vector<1x1024xf32>
    %broadcast_in_dim3A_536 = vector.broadcast %broadcast_in_dim3A_535 : vector<1x1024xf32> to vector<8x1024xf32>
    %slice3A_537 = vector.extract_strided_slice %get3A_530 {offsets = [2, 0], sizes = [1, 1024], strides = [1, 1]} : vector<4x1024xf32> to vector<1x1024xf32>
    %broadcast_in_dim3A_538 = vector.shape_cast %slice3A_537 : vector<1x1024xf32> to vector<1x1024xf32>
    %broadcast_in_dim3A_539 = vector.broadcast %broadcast_in_dim3A_538 : vector<1x1024xf32> to vector<8x1024xf32>
    %slice3A_540 = vector.extract_strided_slice %get3A_530 {offsets = [3, 0], sizes = [1, 1024], strides = [1, 1]} : vector<4x1024xf32> to vector<1x1024xf32>
    %broadcast_in_dim3A_541 = vector.shape_cast %slice3A_540 : vector<1x1024xf32> to vector<1x1024xf32>
    %broadcast_in_dim3A_542 = vector.broadcast %broadcast_in_dim3A_541 : vector<1x1024xf32> to vector<8x1024xf32>
    %concatenate3A_543 = tpu.concatenate %broadcast_in_dim3A_533, %broadcast_in_dim3A_536, %broadcast_in_dim3A_539, %broadcast_in_dim3A_542 in 0 : vector<8x1024xf32>, vector<8x1024xf32>, vector<8x1024xf32>, vector<8x1024xf32> -> vector<32x1024xf32>
    %get3A_544 = arith.constant 0 : index
    %get3A_545 = arith.constant 0 : index
    %get3A_546 = vector.load %arg8[%get3A_544, %get3A_545] : memref<32x1xf32, #tpu.memory_space<vmem>>, vector<32x1xf32>
    %mul3A_547 = vector.broadcast %get3A_546 : vector<32x1xf32> to vector<32x1024xf32>
    %mul3A_548 = arith.mulf %concatenate3A_543, %mul3A_547 : vector<32x1024xf32>
    %get3A_549 = arith.constant 0 : index
    %get3A_550 = arith.constant 0 : index
    %get3A_551 = vector.load %arg9[%get3A_549, %get3A_550] : memref<32x1xf32, #tpu.memory_space<vmem>>, vector<32x1xf32>
    %add3A_552 = vector.broadcast %get3A_551 : vector<32x1xf32> to vector<32x1024xf32>
    %add3A_553 = arith.addf %mul3A_548, %add3A_552 : vector<32x1024xf32>
    %iota3A_554 = tpu.iota {dimensions = array<i32: 0>} : vector<32x1024xi32>
    %jit3A_555 = arith.constant 8 : i32
    %eq3A_556 = arith.constant 0 : i32
    %eq3A_557 = arith.cmpi eq, %jit3A_555, %eq3A_556 : i32
    %jit3A_558 = arith.constant 1 : i32
    %select_n3A_559 = arith.select %eq3A_557, %jit3A_558, %jit3A_555 : i32
    %rem3A_560 = vector.broadcast %select_n3A_559 : i32 to vector<32x1024xi32>
    %rem3A_561 = arith.remsi %iota3A_554, %rem3A_560 : vector<32x1024xi32>
    %ne3A_562 = arith.constant 0 : i32
    %ne3A_563 = vector.broadcast %ne3A_562 : i32 to vector<32x1024xi32>
    %ne3A_564 = arith.cmpi ne, %rem3A_561, %ne3A_563 : vector<32x1024xi32>
    %lt3A_565 = arith.constant 0 : i32
    %lt3A_566 = vector.broadcast %lt3A_565 : i32 to vector<32x1024xi32>
    %lt3A_567 = arith.cmpi slt, %rem3A_561, %lt3A_566 : vector<32x1024xi32>
    %lt3A_568 = arith.constant 0 : i32
    %lt3A_569 = arith.cmpi slt, %select_n3A_559, %lt3A_568 : i32
    %ne3A_570 = vector.broadcast %lt3A_569 : i1 to vector<32x1024xi1>
    %ne3A_571 = vector.broadcast %ne3A_570 : vector<32x1024xi1> to vector<32x1024xi1>
    %ne3A_572 = arith.xori %lt3A_567, %ne3A_571 : vector<32x1024xi1>
    %and3A_573 = arith.andi %ne3A_572, %ne3A_564 : vector<32x1024xi1>
    %add3A_574 = vector.broadcast %select_n3A_559 : i32 to vector<32x1024xi32>
    %add3A_575 = arith.addi %rem3A_561, %add3A_574 : vector<32x1024xi32>
    %select_n3A_576 = arith.select %and3A_573, %add3A_575, %rem3A_561 : vector<32x1024xi1>, vector<32x1024xi32>
    %eq3A_577 = arith.constant 0 : i32
    %eq3A_578 = vector.broadcast %eq3A_577 : i32 to vector<32x1024xi32>
    %eq3A_579 = arith.cmpi eq, %select_n3A_576, %eq3A_578 : vector<32x1024xi32>
    %mul3A_580 = arith.constant 0.318309873 : f32
    %mul3A_581 = vector.broadcast %mul3A_580 : f32 to vector<32x1024xf32>
    %mul3A_582 = arith.mulf %add3A_553, %mul3A_581 : vector<32x1024xf32>
    %round3A_583 = math.roundeven %mul3A_582 : vector<32x1024xf32>
    %mul3A_584 = arith.constant 3.14159274 : f32
    %mul3A_585 = vector.broadcast %mul3A_584 : f32 to vector<32x1024xf32>
    %mul3A_586 = arith.mulf %round3A_583, %mul3A_585 : vector<32x1024xf32>
    %sub3A_587 = arith.subf %add3A_553, %mul3A_586 : vector<32x1024xf32>
    %mul3A_588 = arith.constant -8.74227765E-8 : f32
    %mul3A_589 = vector.broadcast %mul3A_588 : f32 to vector<32x1024xf32>
    %mul3A_590 = arith.mulf %round3A_583, %mul3A_589 : vector<32x1024xf32>
    %sub3A_591 = arith.subf %sub3A_587, %mul3A_590 : vector<32x1024xf32>
    %jit3A_592 = arith.constant -1.600000e+00 : f32
    %jit3A_593 = arith.constant 1.600000e+00 : f32
    %max3A_594 = vector.broadcast %jit3A_592 : f32 to vector<32x1024xf32>
    %max3A_595 = arith.maximumf %max3A_594, %sub3A_591 : vector<32x1024xf32>
    %min3A_596 = vector.broadcast %jit3A_593 : f32 to vector<32x1024xf32>
    %min3A_597 = arith.minimumf %min3A_596, %max3A_595 : vector<32x1024xf32>
    %mul3A_598 = arith.mulf %min3A_597, %min3A_597 : vector<32x1024xf32>
    %mul3A_599 = arith.constant -2.50507579E-8 : f32
    %mul3A_600 = vector.broadcast %mul3A_599 : f32 to vector<32x1024xf32>
    %mul3A_601 = arith.mulf %mul3A_600, %mul3A_598 : vector<32x1024xf32>
    %add3A_602 = arith.constant 2.75573143E-6 : f32
    %add3A_603 = vector.broadcast %add3A_602 : f32 to vector<32x1024xf32>
    %add3A_604 = arith.addf %mul3A_601, %add3A_603 : vector<32x1024xf32>
    %mul3A_605 = arith.mulf %add3A_604, %mul3A_598 : vector<32x1024xf32>
    %add3A_606 = arith.constant -1.98412701E-4 : f32
    %add3A_607 = vector.broadcast %add3A_606 : f32 to vector<32x1024xf32>
    %add3A_608 = arith.addf %mul3A_605, %add3A_607 : vector<32x1024xf32>
    %mul3A_609 = arith.mulf %add3A_608, %mul3A_598 : vector<32x1024xf32>
    %add3A_610 = arith.constant 0.00833333377 : f32
    %add3A_611 = vector.broadcast %add3A_610 : f32 to vector<32x1024xf32>
    %add3A_612 = arith.addf %mul3A_609, %add3A_611 : vector<32x1024xf32>
    %mul3A_613 = arith.mulf %add3A_612, %mul3A_598 : vector<32x1024xf32>
    %add3A_614 = arith.constant -0.166666672 : f32
    %add3A_615 = vector.broadcast %add3A_614 : f32 to vector<32x1024xf32>
    %add3A_616 = arith.addf %mul3A_613, %add3A_615 : vector<32x1024xf32>
    %mul3A_617 = arith.mulf %mul3A_598, %add3A_616 : vector<32x1024xf32>
    %mul3A_618 = arith.mulf %min3A_597, %mul3A_617 : vector<32x1024xf32>
    %add3A_619 = arith.addf %min3A_597, %mul3A_618 : vector<32x1024xf32>
    %mul3A_620 = arith.constant 5.000000e-01 : f32
    %mul3A_621 = vector.broadcast %mul3A_620 : f32 to vector<32x1024xf32>
    %mul3A_622 = arith.mulf %round3A_583, %mul3A_621 : vector<32x1024xf32>
    %round3A_623 = math.roundeven %mul3A_622 : vector<32x1024xf32>
    %mul3A_624 = arith.constant 2.000000e+00 : f32
    %mul3A_625 = vector.broadcast %mul3A_624 : f32 to vector<32x1024xf32>
    %mul3A_626 = arith.mulf %round3A_623, %mul3A_625 : vector<32x1024xf32>
    %ne3A_627 = arith.cmpf one, %mul3A_626, %round3A_583 : vector<32x1024xf32>
    %neg3A_628 = arith.constant 0.000000e+00 : f32
    %neg3A_629 = vector.broadcast %neg3A_628 : f32 to vector<32x1024xf32>
    %neg3A_630 = arith.subf %neg3A_629, %add3A_619 : vector<32x1024xf32>
    %select_n3A_631 = arith.select %ne3A_627, %neg3A_630, %add3A_619 : vector<32x1024xi1>, vector<32x1024xf32>
    %select_n3A_632 = arith.select %eq3A_579, %add3A_553, %select_n3A_631 : vector<32x1024xi1>, vector<32x1024xf32>
    %get3A_633 = arith.constant 3 : index
    %get3A_634 = arith.constant 0 : index
    %get3A_635 = arith.constant 0 : index
    %get3A_636 = vector.load %arg7[%get3A_633, %get3A_634, %get3A_635] : memref<4x1x1024xf32, #tpu.memory_space<vmem>>, vector<1x1x1024xf32>
    %get3A_637 = vector.shape_cast %get3A_636 : vector<1x1x1024xf32> to vector<1x1024xf32>
    %reduce_sum3A_638 = vector.shape_cast %get3A_637 : vector<1x1024xf32> to vector<1x1x1024xf32>
    %reduce_sum3A_639 = arith.constant dense<0.000000e+00> : vector<1xf32>
    %reduce_sum3A_640 = vector.multi_reduction <add>, %reduce_sum3A_638, %reduce_sum3A_639 [1, 2] : vector<1x1x1024xf32> to vector<1xf32>
    %reduce_sum3A_641 = vector.shape_cast %reduce_sum3A_640 : vector<1xf32> to vector<1x1x1xf32>
    %reduce_sum3A_642 = vector.extract %reduce_sum3A_641[0, 0, 0] : f32 from vector<1x1x1xf32>
    %get3A_643 = arith.constant 0 : index
    %get3A_644 = arith.constant 0 : index
    %get3A_645 = vector.load %arg12[%get3A_643, %get3A_644] : memref<64x128xf32, #tpu.memory_space<vmem>>, vector<64x128xf32>
    %get3A_646 = arith.constant 3072 : index
    %get3A_647 = arith.constant 0 : index
    %get3A_648 = vector.load %arg1[%get3A_646, %get3A_647] : memref<4096x128xf32, #tpu.memory_space<vmem>>, vector<1024x128xf32>
    %dot_general3A_649 = arith.constant dense<0.000000e+00> : vector<64x1024xf32>
    %dot_general3A_650 = tpu.matmul %get3A_645, %get3A_648, %dot_general3A_649 {dimension_numbers = #tpu.dot_dimension_numbers<[1], [1], [0], [0], [0, 0, 1, 0], [], []>, transpose_lhs_hint = false} : vector<64x128xf32>, vector<1024x128xf32>, vector<64x1024xf32> -> vector<64x1024xf32>
    %get3A_651 = arith.constant 0 : index
    %get3A_652 = arith.constant 0 : index
    %get3A_653 = vector.load %arg13[%get3A_651, %get3A_652] : memref<64x32xf32, #tpu.memory_space<vmem>>, vector<64x32xf32>
    %dot_general3A_654 = arith.constant dense<0.000000e+00> : vector<64x1024xf32>
    %dot_general3A_655 = tpu.matmul %get3A_653, %select_n3A_632, %dot_general3A_654 {dimension_numbers = #tpu.dot_dimension_numbers<[1], [0], [0], [1], [0, 0, 1, 1], [], []>, transpose_lhs_hint = false} : vector<64x32xf32>, vector<32x1024xf32>, vector<64x1024xf32> -> vector<64x1024xf32>
    %add3A_656 = arith.addf %dot_general3A_650, %dot_general3A_655 : vector<64x1024xf32>
    %get3A_657 = arith.constant 0 : index
    %get3A_658 = arith.constant 0 : index
    %get3A_659 = vector.load %arg14[%get3A_657, %get3A_658] : memref<64x16xf32, #tpu.memory_space<vmem>>, vector<64x16xf32>
    %get3A_660 = arith.constant 0 : index
    %get3A_661 = arith.constant 3072 : index
    %get3A_662 = vector.load %arg2[%get3A_660, %get3A_661] : memref<16x4096xf32, #tpu.memory_space<vmem>>, vector<16x1024xf32>
    %dot_general3A_663 = arith.constant dense<0.000000e+00> : vector<64x1024xf32>
    %dot_general3A_664 = tpu.matmul %get3A_659, %get3A_662, %dot_general3A_663 {dimension_numbers = #tpu.dot_dimension_numbers<[1], [0], [0], [1], [0, 0, 1, 1], [], []>, transpose_lhs_hint = false} : vector<64x16xf32>, vector<16x1024xf32>, vector<64x1024xf32> -> vector<64x1024xf32>
    %mul3A_665 = vector.broadcast %reduce_sum3A_642 : f32 to vector<64x1024xf32>
    %mul3A_666 = arith.mulf %dot_general3A_664, %mul3A_665 : vector<64x1024xf32>
    %add3A_667 = arith.addf %add3A_656, %mul3A_666 : vector<64x1024xf32>
    %get3A_668 = arith.constant 0 : index
    %get3A_669 = arith.constant 3072 : index
    %get3A_670 = vector.load %arg6[%get3A_668, %get3A_669] : memref<1x4096xf32, #tpu.memory_space<vmem>>, vector<1x1024xf32>
    %mul3A_671 = vector.broadcast %dot_general3A_5 : vector<64x1xf32> to vector<64x1024xf32>
    %mul3A_672 = vector.broadcast %get3A_670 : vector<1x1024xf32> to vector<64x1024xf32>
    %mul3A_673 = arith.mulf %mul3A_671, %mul3A_672 : vector<64x1024xf32>
    %add3A_674 = vector.broadcast %dot_general3A_13 : vector<64x1xf32> to vector<64x1024xf32>
    %add3A_675 = arith.addf %mul3A_673, %add3A_674 : vector<64x1024xf32>
    %add3A_676 = arith.addf %add3A_667, %add3A_675 : vector<64x1024xf32>
    %get3A_677 = arith.constant 0 : index
    %get3A_678 = arith.constant 0 : index
    %get3A_679 = vector.load %arg16[%get3A_677, %get3A_678] : memref<64x16xf32, #tpu.memory_space<vmem>>, vector<64x16xf32>
    %get3A_680 = arith.constant 0 : index
    %get3A_681 = arith.constant 3072 : index
    %get3A_682 = vector.load %arg3[%get3A_680, %get3A_681] : memref<16x4096xf32, #tpu.memory_space<vmem>>, vector<16x1024xf32>
    %dot_general3A_683 = arith.constant dense<0.000000e+00> : vector<64x1024xf32>
    %dot_general3A_684 = tpu.matmul %get3A_679, %get3A_682, %dot_general3A_683 {dimension_numbers = #tpu.dot_dimension_numbers<[1], [0], [0], [1], [0, 0, 1, 1], [], []>, transpose_lhs_hint = false} : vector<64x16xf32>, vector<16x1024xf32>, vector<64x1024xf32> -> vector<64x1024xf32>
    %add3A_685 = arith.addf %add3A_676, %dot_general3A_684 : vector<64x1024xf32>
    %get3A_686 = arith.constant 0 : index
    %get3A_687 = arith.constant 0 : index
    %get3A_688 = vector.load %arg17[%get3A_686, %get3A_687] : memref<64x16xf32, #tpu.memory_space<vmem>>, vector<64x16xf32>
    %get3A_689 = arith.constant 0 : index
    %get3A_690 = arith.constant 3072 : index
    %get3A_691 = vector.load %arg4[%get3A_689, %get3A_690] : memref<16x4096xf32, #tpu.memory_space<vmem>>, vector<16x1024xf32>
    %dot_general3A_692 = arith.constant dense<0.000000e+00> : vector<64x1024xf32>
    %dot_general3A_693 = tpu.matmul %get3A_688, %get3A_691, %dot_general3A_692 {dimension_numbers = #tpu.dot_dimension_numbers<[1], [0], [0], [1], [0, 0, 1, 1], [], []>, transpose_lhs_hint = false} : vector<64x16xf32>, vector<16x1024xf32>, vector<64x1024xf32> -> vector<64x1024xf32>
    %add3A_694 = arith.addf %add3A_685, %dot_general3A_693 : vector<64x1024xf32>
    %get3A_695 = arith.constant 0 : index
    %get3A_696 = arith.constant 0 : index
    %get3A_697 = vector.load %arg18[%get3A_695, %get3A_696] : memref<64x1xf32, #tpu.memory_space<vmem>>, vector<64x1xf32>
    %add3A_698 = vector.broadcast %get3A_697 : vector<64x1xf32> to vector<64x1024xf32>
    %add3A_699 = arith.addf %add3A_694, %add3A_698 : vector<64x1024xf32>
    %swap3A_700 = arith.constant 3 : index
    %swap3A_701 = arith.constant 0 : index
    %swap3A_702 = arith.constant 0 : index
    %swap3A_703 = vector.load %arg19[%swap3A_700, %swap3A_701, %swap3A_702] : memref<4x64x1024xf32, #tpu.memory_space<vmem>>, vector<1x64x1024xf32>
    %swap3A_704 = vector.shape_cast %swap3A_703 : vector<1x64x1024xf32> to vector<64x1024xf32>
    %swap3A_705 = vector.shape_cast %add3A_699 : vector<64x1024xf32> to vector<1x64x1024xf32>
    tpu.vector_store %arg19[%swap3A_700, %swap3A_701, %swap3A_702], %swap3A_705 {strides = array<i32>} : memref<4x64x1024xf32, #tpu.memory_space<vmem>>, vector<1x64x1024xf32>,
    return
  }
  func.func @transform_0(%arg0: i32) -> (i32, i32) {
    %c0_i32 = arith.constant 0 : i32
    %c0_i32_0 = arith.constant 0 : i32
    return %arg0, %c0_i32 : i32, i32
  }
  func.func @transform_1(%arg0: i32) -> (i32, i32) {
    %c0_i32 = arith.constant 0 : i32
    %c0_i32_0 = arith.constant 0 : i32
    return %c0_i32, %arg0 : i32, i32
  }
  func.func @transform_2(%arg0: i32) -> (i32, i32) {
    %c0_i32 = arith.constant 0 : i32
    %c0_i32_0 = arith.constant 0 : i32
    return %c0_i32, %arg0 : i32, i32
  }
  func.func @transform_3(%arg0: i32) -> (i32, i32) {
    %c0_i32 = arith.constant 0 : i32
    %c0_i32_0 = arith.constant 0 : i32
    return %c0_i32, %arg0 : i32, i32
  }
  func.func @transform_4(%arg0: i32) -> (i32, i32) {
    %c0_i32 = arith.constant 0 : i32
    %c0_i32_0 = arith.constant 0 : i32
    return %c0_i32, %arg0 : i32, i32
  }
  func.func @transform_5(%arg0: i32) -> (i32, i32) {
    %c0_i32 = arith.constant 0 : i32
    %c0_i32_0 = arith.constant 0 : i32
    return %c0_i32, %arg0 : i32, i32
  }
  func.func @transform_6(%arg0: i32) -> (i32, i32, i32) {
    %c0_i32 = arith.constant 0 : i32
    %c0_i32_0 = arith.constant 0 : i32
    %c0_i32_1 = arith.constant 0 : i32
    return %arg0, %c0_i32, %c0_i32_0 : i32, i32, i32
  }
  func.func @transform_7(%arg0: i32) -> (i32, i32) {
    %c0_i32 = arith.constant 0 : i32
    %c0_i32_0 = arith.constant 0 : i32
    %c0_i32_1 = arith.constant 0 : i32
    return %c0_i32, %c0_i32_0 : i32, i32
  }
  func.func @transform_8(%arg0: i32) -> (i32, i32) {
    %c0_i32 = arith.constant 0 : i32
    %c0_i32_0 = arith.constant 0 : i32
    %c0_i32_1 = arith.constant 0 : i32
    return %c0_i32, %c0_i32_0 : i32, i32
  }
  func.func @transform_9(%arg0: i32) -> (i32, i32) {
    %c0_i32 = arith.constant 0 : i32
    %c0_i32_0 = arith.constant 0 : i32
    %c0_i32_1 = arith.constant 0 : i32
    return %c0_i32, %c0_i32_0 : i32, i32
  }
  func.func @transform_10(%arg0: i32) -> (i32, i32) {
    %c0_i32 = arith.constant 0 : i32
    %c0_i32_0 = arith.constant 0 : i32
    %c0_i32_1 = arith.constant 0 : i32
    return %c0_i32, %c0_i32_0 : i32, i32
  }
  func.func @transform_11(%arg0: i32) -> (i32, i32) {
    %c0_i32 = arith.constant 0 : i32
    %c0_i32_0 = arith.constant 0 : i32
    %c0_i32_1 = arith.constant 0 : i32
    return %c0_i32, %c0_i32_0 : i32, i32
  }
  func.func @transform_12(%arg0: i32) -> (i32, i32) {
    %c0_i32 = arith.constant 0 : i32
    %c0_i32_0 = arith.constant 0 : i32
    %c0_i32_1 = arith.constant 0 : i32
    return %c0_i32, %c0_i32_0 : i32, i32
  }
  func.func @transform_13(%arg0: i32) -> (i32, i32) {
    %c0_i32 = arith.constant 0 : i32
    %c0_i32_0 = arith.constant 0 : i32
    %c0_i32_1 = arith.constant 0 : i32
    return %c0_i32, %c0_i32_0 : i32, i32
  }
  func.func @transform_14(%arg0: i32) -> (i32, i32) {
    %c0_i32 = arith.constant 0 : i32
    %c0_i32_0 = arith.constant 0 : i32
    %c0_i32_1 = arith.constant 0 : i32
    return %c0_i32, %c0_i32_0 : i32, i32
  }
  func.func @transform_15(%arg0: i32) -> (i32, i32) {
    %c0_i32 = arith.constant 0 : i32
    %c0_i32_0 = arith.constant 0 : i32
    %c0_i32_1 = arith.constant 0 : i32
    return %c0_i32, %c0_i32_0 : i32, i32
  }
  func.func @transform_16(%arg0: i32) -> (i32, i32) {
    %c0_i32 = arith.constant 0 : i32
    %c0_i32_0 = arith.constant 0 : i32
    %c0_i32_1 = arith.constant 0 : i32
    return %c0_i32, %c0_i32_0 : i32, i32
  }
  func.func @transform_17(%arg0: i32) -> (i32, i32) {
    %c0_i32 = arith.constant 0 : i32
    %c0_i32_0 = arith.constant 0 : i32
    %c0_i32_1 = arith.constant 0 : i32
    return %c0_i32, %c0_i32_0 : i32, i32
  }
  func.func @transform_18(%arg0: i32) -> (i32, i32, i32) {
    %c0_i32 = arith.constant 0 : i32
    %c0_i32_0 = arith.constant 0 : i32
    %c0_i32_1 = arith.constant 0 : i32
    return %arg0, %c0_i32, %c0_i32_0 : i32, i32, i32
  }
}

</mosaic_0001>

<sc_bundles>
// kernel: kernel.4.cloned.1.call-start
scs
__scs_entry_jumppad:
0x0: {  	(pc) =	sbr.rel $0x88, $3  }
0x1: {  	(tag) =	ssettag $0x0;
	lr =	simm.s32 $0x1  }
0x2: {  	[smem:$0x3F90] =	sst lr;
	_ =	strace $0xD0000000  }
0x3: {  	_ = 	snop  }
0x4: {  	_ = 	snop  }
0x5: {  	_ = 	snop  }
0x6: {  	_ = 	snop  }
0x7: {  	_ = 	snop  }
__scs_overlays_trampoline_lowered:
0x8: {  	[smem:$0x3F9F] =	sst s0  }
0x9: {  	[smem:$0x3FA0] =	sst s1  }
0xa: {  	[smem:$0x3FA1] =	sst s2  }
0xb: {  	[smem:$0x3FA2] =	sst s3  }
0xc: {  	[smem:$0x3FA3] =	sst s4  }
0xd: {  	[smem:$0x3FA4] =	sst s5  }
0xe: {  	[smem:$0x3FA5] =	sst s6  }
0xf: {  	[smem:$0x3FA6] =	sst s7  }
0x10: {  	[smem:$0x3FA7] =	sst s8  }
0x11: {  	[smem:$0x3FA8] =	sst s9;
	s0 =	simm.s32 @!p0 $0x0  }
0x12: {  	s1 =	sld [smem:$0x3F8E];
	s0 =	simm.s32 @p0 $0x1  }
0x13: {  	[smem:$0x3FA9] =	sst s0;
	s0 =	simm.s32 @!p1 $0x0  }
0x14: {  	s2 =	sld [smem:$0x3F8D];
	s0 =	simm.s32 @p1 $0x1  }
0x15: {  	[smem:$0x3FAA] =	sst s0;
	s0 =	simm.s32 @!p2 $0x0  }
0x16: {  	s3 =	sld [smem:$0x3FDB];
	s0 =	simm.s32 @p2 $0x1  }
0x17: {  	s4 =	simm.s32 $0x1BF5;
	[smem:$0x3FAC] =	sst s0  }
0x18: {  	s0 =	sld [smem:$0x3F8F];
	_ =	swait.ge [sflag:s4], $0x0  }
0x19: {  	s7 =	sld [smem:$0x3F90]  }
0x1a: {  	s8 =	sadd.s32 $0xFFFFE003, lr  }
0x1b: {  	s9 =	sadd.s32 $0xFFFFFEF7, lr;
	s5 =	simm.s32 $0xFFFFFFFF;
	p2 =	slt.u32 s8, $0xFFFFF086  }
0x1c: {  	p1 =	slt.u32 s9, $0xF7A;
	s5 =	simm.s32 @!p2 $0x0  }
0x1d: {  	s5 =	simm.s32 @p1 $0x1;
	p0 =	seq.s32 s7, s2  }
0x1e: {  	s7 =	smul.u32 @!p0 $0xF7A, s2;
	p2 =	seq.s32 @!p0 s5, $0x0  }
0x1f: {  	s9 =	smul.u32 $0xF7A, s1;
	s8 =	simm.s32 @!p0 $0x1BF5;
	p2 =	por !p2, p0  }
0x20: {  	[sflag:s8] =	ssyncset.s32 @!p0 $0xFFFFF086;
	s6 =	sadd.s32 @!p0 s3, s7;
	s7 =	simm.s32 @!p0 $0x108  }
0x21: {  	s3 =	sadd.s32 s3, s9;
	s6 =	sadd.s32 @!p0 $0x88, s6;
	s7 =	simm.s32 @p2 $0x1082  }
0x22: {  	[simem:s7], [sflag:s8] =	dma.local @!p0 [hbm:s6], $0xF7A  }
0x23: {  	s9 =	sor.u32 $0xD0000000, s2;
	s6 =	simm.s32 $0x108;
	_ =	swait.ge @!p0 [sflag:s8], $0x0  }
0x24: {  	s3 =	sadd.s32 $0x88, s3;
	s6 =	simm.s32 @!p1 $0x1082;
	[sflag:s4] =	ssyncset.s32 $0xFFFFF086  }
0x25: {  	[simem:s6], [sflag:s4] =	dma.local [hbm:s3], $0xF7A  }
0x26: {  	[smem:$0x3F90] =	sst s1;
	(tag) =	ssettag s2;
	_ =	strace s9  }
0x27: {  	s1 =	sld [smem:$0x3FA0]  }
0x28: {  	s2 =	sld [smem:$0x3FA1]  }
0x29: {  	s4 =	sld [smem:$0x3FA3]  }
0x2a: {  	p0 =	seq.s32 s5, $0x0;
	s5 =	sld [smem:$0x3FA4]  }
0x2b: {  	s6 =	sld [smem:$0x3FA5]  }
0x2c: {  	s7 =	sld [smem:$0x3FA6]  }
0x2d: {  	s3 =	simm.s32 $0x108;
	s8 =	sld [smem:$0x3FA7]  }
0x2e: {  	s3 =	simm.s32 @!p0 $0x1082;
	s9 =	sld [smem:$0x3FA8]  }
0x2f: {  	lr =	sadd.s32 s0, s3;
	s0 =	sld [smem:$0x3F9F]  }
0x30: {  	s3 =	sld [smem:$0x3FA2]  }
0x31: {  	[smem:$0x3FAB] =	sst s10  }
0x32: {  	s10 =	sld [smem:$0x3FA9];
	_ =	sdelay $0x3  }
0x33: {  	p0 =	seq.s32 s10, $0x1;
	s10 =	sld [smem:$0x3FAB];
	_ =	sdelay $0x3  }
0x34: {  	[smem:$0x3FAB] =	sst s10  }
0x35: {  	s10 =	sld [smem:$0x3FAA];
	_ =	sdelay $0x3  }
0x36: {  	p1 =	seq.s32 s10, $0x1;
	s10 =	sld [smem:$0x3FAB];
	_ =	sdelay $0x3  }
0x37: {  	[smem:$0x3FAB] =	sst s10  }
0x38: {  	s10 =	sld [smem:$0x3FAC]  }
0x39: {  	_ = 	snop;
	(pc) =	sbr.ind lr, $3  }
0x3a: {  	_ = 	snop  }
0x3b: {  	_ = 	snop  }
0x3c: {  	p2 =	seq.s32 s10, $0x1;
	s10 =	sld [smem:$0x3FAB]  }
0x3d: {  	_ =	shalt  }
0x3e: {  	_ =	shalt  }
0x3f: {  	_ =	shalt  }
0x40: {  	_ =	shalt  }
0x41: {  	_ =	shalt  }
0x42: {  	_ =	shalt  }
0x43: {  	_ =	shalt  }
0x44: {  	_ =	shalt  }
0x45: {  	_ =	shalt  }
0x46: {  	_ =	shalt  }
0x47: {  	_ =	shalt  }
0x48: {  	_ =	shalt  }
0x49: {  	_ =	shalt  }
0x4a: {  	_ =	shalt  }
0x4b: {  	_ =	shalt  }
0x4c: {  	_ =	shalt  }
0x4d: {  	_ =	shalt  }
0x4e: {  	_ =	shalt  }
0x4f: {  	_ =	shalt  }
0x50: {  	_ =	shalt  }
0x51: {  	_ =	shalt  }
0x52: {  	_ =	shalt  }
0x53: {  	_ =	shalt  }
0x54: {  	_ =	shalt  }
0x55: {  	_ =	shalt  }
0x56: {  	_ =	shalt  }
0x57: {  	_ =	shalt  }
0x58: {  	_ =	shalt  }
0x59: {  	_ =	shalt  }
0x5a: {  	_ =	shalt  }
0x5b: {  	_ =	shalt  }
0x5c: {  	_ =	shalt  }
0x5d: {  	_ =	shalt  }
0x5e: {  	_ =	shalt  }
0x5f: {  	_ =	shalt  }
0x60: {  	_ =	shalt  }
0x61: {  	_ =	shalt  }
0x62: {  	_ =	shalt  }
0x63: {  	_ =	shalt  }
0x64: {  	_ =	shalt  }
0x65: {  	_ =	shalt  }
0x66: {  	_ =	shalt  }
0x67: {  	_ =	shalt  }
0x68: {  	_ =	shalt  }
0x69: {  	_ =	shalt  }
0x6a: {  	_ =	shalt  }
0x6b: {  	_ =	shalt  }
0x6c: {  	_ =	shalt  }
0x6d: {  	_ =	shalt  }
0x6e: {  	_ =	shalt  }
0x6f: {  	_ =	shalt  }
0x70: {  	_ =	shalt  }
0x71: {  	_ =	shalt  }
0x72: {  	_ =	shalt  }
0x73: {  	_ =	shalt  }
0x74: {  	_ =	shalt  }
0x75: {  	_ =	shalt  }
0x76: {  	_ =	shalt  }
0x77: {  	_ =	shalt  }
0x78: {  	_ =	shalt  }
0x79: {  	_ =	shalt  }
0x7a: {  	_ =	shalt  }
0x7b: {  	_ =	shalt  }
0x7c: {  	_ =	shalt  }
0x7d: {  	_ =	shalt  }
0x7e: {  	_ =	shalt  }
0x7f: {  	_ =	shalt  }
0x80: {  	_ =	shalt  }
0x81: {  	_ =	shalt  }
0x82: {  	_ =	shalt  }
0x83: {  	_ =	shalt  }
0x84: {  	_ =	shalt  }
0x85: {  	_ =	shalt  }
0x86: {  	_ =	shalt  }
0x87: {  	_ =	shalt  }
.Lfunc_end0:
.L_simem_size_0:
called_computation_lowered:
.L_overlay_start_0:
0x88: {  	s2 =	sld [smem:$0x3FD9]  }
0x89: {  	s3 =	sld [smem:$0x3FFE];
	_ =	sdelay $0x1  }
0x8a: {  	s1 =	srdreg.scid  }
0x8b: {  	s0 =	sand.u32 $0x1, s1  }
0x8c: {  	s17 =	sshll.u32 s0, $0xA;
	s2 =	sadd.s32 s3, s2  }
0x8d: {  	s2 =	sadd.s32 s2, s17  }
0x8e: {  	[smem:$0x3FB7] =	sst s2  }
0x8f: {  	_ = 	snop  }
0x90: {  	s2 =	sld [smem:$0x3FC2]  }
0x91: {  	s18 =	sld [smem:$0x3FD0];
	(tm) =	ssettm $0x1  }
0x92: {  	s4 =	sld [smem:$0x3FFB];
	_ =	sdelay $0x3  }
0x93: {  	_ =	strace s4  }
0x94: {  	s4 =	sld [smem:$0x3FFC];
	_ =	sdelay $0x3  }
0x95: {  	_ =	strace s4  }
0x96: {  	s4 =	sld [smem:$0x3FFD];
	_ =	sdelay $0x3  }
0x97: {  	_ =	strace s4  }
0x98: {  	_ =	strace $0x8FFFFFFF  }
0x99: {  	s19 =	sld [smem:$0x3FDB];
	_ =	sdelay $0x1  }
0x9a: {  	s5 =	simm.s32 $_scs_section_size  }
0x9b: {  	s6 =	simm.s32 $_size__tile_overlayer_lowered;
	s7 =	simm.s32 $_tile_overlayer_lowered  }
0x9c: {  	s22 =	simm.s32 $0x1BFF;
	s21 =	sshll.u32 s7, $0x1;
	s4 =	sadd.s32 s5, s19  }
0x9d: {  	s8 =	simm.s32 $0x0;
	s20 =	sshll.u32 s6, $0x1;
	s6 =	sadd.s32 s21, s4  }
0x9e: {  	[timem:s8], [sflag:s22] =	dma.local [hbm:s6], s20  }
0x9f: {  	_ =	swait.ge [sflag:s22], s20  }
0xa0: {  	s5 =	ssub.s32 $0x0, s20;
	[sflag:s22] =	ssyncset.done $0x0  }
0xa1: {  	[sflag:s22] =	ssyncadd.s32 s5;
	_ =	sdelay $0x1  }
0xa2: {  	s23 =	simm.s32 $0x1B8B  }
0xa3: {  	_ =	swait.ge [sflag:s23], $0x1  }
0xa4: {  	[sflag:s23] =	ssyncset.done $0x0  }
0xa5: {  	s25 =	simm.s32 $0x1B8E;
	s24 =	sld [smem:$0x3FFE];
	[sflag:s23] =	ssyncadd.s32 $0xFFFFFFFF  }
0xa6: {  	s26 =	simm.s32 $execute0_lowered;
	[smem:$0x3FD2] =	sst s25  }
0xa7: {  	s6 =	sshll.u32 s26, $0x1;
	_ =	strace $0x80000046;
	[dreg:$0x1] =	wrdreg $0xFFFFFFFF  }
0xa8: {  	s28 =	simm.s32 $_size_execute0_lowered;
	s4 =	sadd.s32 s4, s6;
	[dreg:$0x0] =	wrdreg $0x0  }
0xa9: {  	s6 =	sshll.u32 s28, $0x1;
	[dreg:$0x2] =	wrdreg s4  }
0xaa: {  	[dreg:$0x3] =	wrdreg s6  }
0xab: {  	[dreg:$0x4] =	wrdreg $0xC0  }
0xac: {  	_ =	task [dreg:s8], $0x5FFFF  }
0xad: {  	[dreg:$0x1] =	wrdreg $0xFFFFFFFF  }
0xae: {  	[dreg:$0x0] =	wrdreg $0x60  }
0xaf: {  	[dreg:$0x2] =	wrdreg s2  }
0xb0: {  	[dreg:$0x3] =	wrdreg s24  }
0xb1: {  	[dreg:$0x4] =	wrdreg s18  }
0xb2: {  	[dreg:$0x5] =	wrdreg $0x9  }
0xb3: {  	_ =	task.clear_ibuf [dreg:s8], $0x6FFFF;
	_ =	strace $0x90000046  }
0xb4: {  	s29 =	simm.s32 $0x9;
	_ =	strace $0x80000048  }
0xb5: {  	_ =	swait.ge [sflag:s29], $0x1  }
0xb6: {  	[sflag:s29] =	ssyncadd.s32 $0xFFFFFFFF  }
0xb7: {  	_ =	strace $0x90000048  }
0xb8: {  	_ =	sfence  }
0xb9: {  	s30 =	sld [smem:$0x0];
	_ =	sdelay $0x2  }
0xba: {  	s31 =	sshll.u32 s1, $0xD;
	s1 =	sshrl.u32 s1, $0x2  }
0xbb: {  	s3 =	sand.u32 $0x4000, s31;
	s1 =	sadd.s32 s1, s30  }
0xbc: {  	s0 =	sor.u32 s3, s0;
	s1 =	sshll.u32 s1, $0x11  }
0xbd: {  	s0 =	sor.u32 s1, s0  }
0xbe: {  	s0 =	sadd.s32 $0x8F2B, s0  }
0xbf: {  	[sflag:s0] =	ssyncadd.remote.s32 $0x1  }
0xc0: {  	_ =	sfence.sel $0xFFFF  }
0xc1: {  	[dreg:$0x0] =	wrdreg $0xFFFFFFFF;
	(pc) =	sbr.abs _section_cstart, $3  }
0xc2: {  	[dreg:$0x1] =	wrdreg $0xFFFFFFFF  }
0xc3: {  	_ =	task.clear_ibuf [dreg:s8], $0x2FFFF;
	_ =	strace $0x9FFFFFFF  }
0xc4: {  	(tm) =	ssettm $0x7FFFFFFF  }
0xc5: {  	_ =	shalt  }
tec
execute0_lowered:
.L_overlay_start_1:
0x0: {  	(tag) =	ssettag $0x1  }
0x1: {  	s1 =	rddreg [dreg:$0x0]  }
0x2: {  	s0 =	rddreg [dreg:$0x1]  }
0x3: {  	s2 =	rddreg [dreg:$0x2];
	s4 =	srdreg.scid  }
0x4: {  	s5 =	stileid.u32;
	s3 =	simm.s32 $0x0;
	s28 =	simm.s32 $0xC500  }
0x5: {  	s30 =	simm.s32 $0x10500;
	s31 =	simm.s32 $0x14500;
	s29 =	simm.s32 $0x0  }
0x6: {  	s4 =	sand.u32 $0x1, s4;
	s5 =	sshll.u32 s5, $0x1;
	[smem:$0x7FF] =	sst s3  }
0x7: {  	s6 =	sadd.s32 $0x4A00, s0;
	s7 =	sadd.s32 $0x5200, s0;
	s5 =	sor.u32 s4, s5  }
0x8: {  	s8 =	sadd.s32 $0x5A00, s0;
	s15 =	sadd.s32 $0x6200, s0;
	s18 =	smul.u32 $0x50, s5  }
0x9: {  	_ =	strace $0x80000047;
	[dreg:$0x4] =	wrdreg s6;
	s19 =	smul.u32 $0x280, s5  }
0xa: {  	[dreg:$0x5] =	wrdreg s7;
	s4 =	ssub.s32 $0x2, s4;
	s23 =	smul.u32 $0x14000, s5  }
0xb: {  	[dreg:$0x6] =	wrdreg s8;
	s20 =	sshrl.u32 s4, $0x1;
	s24 =	smul.u32 $0x2800, s5  }
0xc: {  	s4 =	ssub.s32 s4, s20;
	s20 =	simm.s32 $0x2;
	s6 =	sadd.s32 s18, s0  }
0xd: {  	s0 =	sadd.s32 s19, s0;
	s2 =	sadd.s32 s2, s19;
	s25 =	sshrl.u32 s23, $0x3  }
0xe: {  	s14 =	sadd.s32 s15, s24;
	s19 =	smax.u32 s4, $0x1;
	s23 =	simm.s32 $0x4500  }
0xf: {  	s24 =	simm.s32 $0x18380;
	s21 =	sadd.s32 $0x2200, s6;
	s22 =	sadd.s32 $0x2C00, s6  }
0x10: {  	[dreg:$0x9] =	wrdreg s2;
	s10 =	sadd.s32 $0x3600, s6;
	s11 =	sadd.s32 $0x56200, s0  }
0x11: {  	s12 =	sadd.s32 $0x4000, s6;
	s13 =	sadd.s32 $0x60200, s0;
	s26 =	sadd.s32 s15, s25  }
0x12: {  	s25 =	simm.s32 $0x8500;
	s0 =	simm.s32 $0x1400;
	[dreg:$0x7] =	wrdreg s21  }
0x13: {  	s2 =	simm.s32 $0x28000;
	[dreg:$0x8] =	wrdreg s22;
	s15 =	sadd.s32 $0x800, s26  }
0x14: {  	s16 =	sadd.s32 $0x1000, s26;
	s17 =	sadd.s32 $0x1800, s26;
	s18 =	sadd.s32 $0x2000, s26  }
0x15: {  	s21 =	simm.s32 $0x80;
	s22 =	simm.s32 $0x500;
	s26 =	simm.s32 $0x1  }
.LBB2_1:
0x16: {  	s4 =	rddreg [dreg:$0x7]  }
0x17: {  	[tilespmem:s3], [sflag:$0x2] =	stream.linear.gather [hbm4b:s4+s3], $0x280, $0x38;
	[tilespmem:$0x1AB80] =	vst v63  }
0x18: {  	_ =	swait.ge [sflag:s20], $0x280  }
0x19: {  	[sflag:s20] =	ssyncset.done $0x0  }
0x1a: {  	[sflag:s20] =	ssyncadd.s32 $0xFFFFFD80  }
0x1b: {  	[tilespmem:s22], [sflag:$0x1] =	stream.indirect.gather [hbm4b:s1+s21], $0x80, s3, s21, $0xb8;
	[tilespmem:$0x1AB80] =	vst v63  }
0x1c: {  	_ = 	snop  }
0x1d: {  	[tilespmem:s23], [sflag:$0x1] =	stream.indirect.gather [hbm4b:s1+s21], $0x80, s21, s21, $0xb8;
	[tilespmem:$0x1AB80] =	vst v63  }
0x1e: {  	s9 =	simm.s32 $0x100  }
0x1f: {  	[tilespmem:s25], [sflag:$0x1] =	stream.indirect.gather [hbm4b:s1+s21], $0x80, s9, s21, $0xb8;
	[tilespmem:$0x1AB80] =	vst v63  }
0x20: {  	s5 =	simm.s32 $0x180  }
0x21: {  	[tilespmem:s28], [sflag:$0x1] =	stream.indirect.gather [hbm4b:s1+s21], $0x80, s5, s21, $0xb8;
	[tilespmem:$0x1AB80] =	vst v63  }
0x22: {  	s6 =	simm.s32 $0x200  }
0x23: {  	[tilespmem:s30], [sflag:$0x1] =	stream.indirect.gather [hbm4b:s1+s21], $0x80, s6, s21, $0xb8;
	[tilespmem:$0x1AB80] =	vst v63  }
0x24: {  	s7 =	rddreg [dreg:$0x4]  }
0x25: {  	[tilespmem:s31], [sflag:$0x2] =	stream.linear.gather [hbm4b:s7+s3], $0x3E80, $0x38;
	[tilespmem:$0x1AB80] =	vst v63  }
0x26: {  	_ =	swait.ge [sflag:s20], $0x3E80  }
0x27: {  	[sflag:s20] =	ssyncset.done $0x0  }
0x28: {  	s4 =	simm.s32 $0x280;
	s5 =	rddreg [dreg:$0x8];
	[sflag:s20] =	ssyncadd.s32 $0xFFFFC180  }
0x29: {  	[tilespmem:s4], [sflag:$0x2] =	stream.linear.gather [hbm4b:s5+s3], $0x280, $0x38;
	[tilespmem:$0x1AB80] =	vst v63  }
0x2a: {  	_ =	swait.ge [sflag:s20], $0x280  }
0x2b: {  	[sflag:s20] =	ssyncset.done $0x0  }
0x2c: {  	[sflag:s20] =	ssyncadd.s32 $0xFFFFFD80  }
0x2d: {  	v0 =	vld [tilespmem:s4+$0x0];
	_ =	sdelay $0x4  }
0x2e: {  	v0 =	vshll.u32 v0, $0x4;
	_ =	sdelay $0x4  }
0x2f: {  	v1 =	vld.idx.msk [tilespmem:v0+s31+$0x0], $0xffff  }
0x30: {  	v2 =	vor.u32 $0x1, v0;
	_ =	sdelay $0x1  }
0x31: {  	s8 =	sand.u32 $0x70, s3;
	s6 =	sand.u32 $0x1C00, s3  }
0x32: {  	s5 =	sor.u32 s8, s6  }
0x33: {  	[tilespmem:s5+$0x18380] =	vst v1  }
0x34: {  	v1 =	vld.idx.msk [tilespmem:v2+s31+$0x0], $0xffff  }
0x35: {  	v2 =	vor.u32 $0x2, v0;
	_ =	sdelay $0x3  }
0x36: {  	[tilespmem:s5+$0x18400] =	vst v1  }
0x37: {  	v1 =	vld.idx.msk [tilespmem:v2+s31+$0x0], $0xffff  }
0x38: {  	v2 =	vor.u32 $0x3, v0;
	_ =	sdelay $0x3  }
0x39: {  	[tilespmem:s5+$0x18480] =	vst v1  }
0x3a: {  	v1 =	vld.idx.msk [tilespmem:v2+s31+$0x0], $0xffff  }
0x3b: {  	v2 =	vor.u32 $0x4, v0;
	_ =	sdelay $0x3  }
0x3c: {  	[tilespmem:s5+$0x18500] =	vst v1  }
0x3d: {  	v1 =	vld.idx.msk [tilespmem:v2+s31+$0x0], $0xffff  }
0x3e: {  	v2 =	vor.u32 $0x5, v0;
	_ =	sdelay $0x3  }
0x3f: {  	[tilespmem:s5+$0x18580] =	vst v1  }
0x40: {  	v1 =	vld.idx.msk [tilespmem:v2+s31+$0x0], $0xffff  }
0x41: {  	v2 =	vor.u32 $0x6, v0;
	_ =	sdelay $0x3  }
0x42: {  	[tilespmem:s5+$0x18600] =	vst v1  }
0x43: {  	v1 =	vld.idx.msk [tilespmem:v2+s31+$0x0], $0xffff  }
0x44: {  	v2 =	vor.u32 $0x7, v0;
	_ =	sdelay $0x3  }
0x45: {  	[tilespmem:s5+$0x18680] =	vst v1  }
0x46: {  	v1 =	vld.idx.msk [tilespmem:v2+s31+$0x0], $0xffff  }
0x47: {  	v2 =	vor.u32 $0x8, v0;
	_ =	sdelay $0x1  }
0x48: {  	s9 =	sor.u32 s3, s3  }
0x49: {  	s6 =	sor.u32 $0x380, s9  }
0x4a: {  	[tilespmem:s6+$0x18380] =	vst v1  }
0x4b: {  	v1 =	vld.idx.msk [tilespmem:v2+s31+$0x0], $0xffff  }
0x4c: {  	v2 =	vor.u32 $0x9, v0;
	_ =	sdelay $0x3  }
0x4d: {  	[tilespmem:s5+$0x19780] =	vst v1  }
0x4e: {  	v1 =	vld.idx.msk [tilespmem:v2+s31+$0x0], $0xffff  }
0x4f: {  	v2 =	vor.u32 $0xA, v0;
	_ =	sdelay $0x3  }
0x50: {  	[tilespmem:s5+$0x19800] =	vst v1  }
0x51: {  	v1 =	vld.idx.msk [tilespmem:v2+s31+$0x0], $0xffff  }
0x52: {  	v2 =	vor.u32 $0xB, v0;
	_ =	sdelay $0x3  }
0x53: {  	[tilespmem:s5+$0x19880] =	vst v1  }
0x54: {  	v1 =	vld.idx.msk [tilespmem:v2+s31+$0x0], $0xffff  }
0x55: {  	v2 =	vor.u32 $0xC, v0;
	_ =	sdelay $0x3  }
0x56: {  	[tilespmem:s5+$0x19900] =	vst v1  }
0x57: {  	v1 =	vld.idx.msk [tilespmem:v2+s31+$0x0], $0xffff  }
0x58: {  	v2 =	vor.u32 $0xD, v0;
	_ =	sdelay $0x3  }
0x59: {  	[tilespmem:s5+$0x19980] =	vst v1  }
0x5a: {  	v1 =	vld.idx.msk [tilespmem:v2+s31+$0x0], $0xffff  }
0x5b: {  	v2 =	vor.u32 $0xE, v0;
	_ =	sdelay $0x3  }
0x5c: {  	[tilespmem:s5+$0x19A00] =	vst v1  }
0x5d: {  	v1 =	vld.idx.msk [tilespmem:v2+s31+$0x0], $0xffff  }
0x5e: {  	v0 =	vor.u32 $0xF, v0;
	_ =	sdelay $0x3  }
0x5f: {  	[tilespmem:s5+$0x19A80] =	vst v1  }
0x60: {  	s7 =	simm.s32 $0x0;
	s6 =	simm.s32 $0x10;
	v0 =	vld.idx.msk [tilespmem:v0+s31+$0x0], $0xffff  }
.LBB2_2:
0x61: {  	_ =	sdelay $0x3  }
0x62: {  	p0 =	sne.s32 s6, $0x270;
	s7 =	sadd.s32 $0x80, s7;
	s4 =	sadd.s32 $0x10, s4;
	[tilespmem:s5+$0x19B00] =	vst v0  }
0x63: {  	s8 =	smov.u32 s6;
	s6 =	sadd.s32 $0x10, s6;
	v0 =	vld [tilespmem:s4+$0x0];
	_ =	sdelay $0x4  }
0x64: {  	v0 =	vshll.u32 v0, $0x4;
	_ =	sdelay $0x4  }
0x65: {  	v1 =	vld.idx.msk [tilespmem:v0+s31+$0x0], $0xffff;
	_ =	sdelay $0x1  }
0x66: {  	v2 =	vor.u32 $0x1, v0;
	_ =	sdelay $0x1  }
0x67: {  	s9 =	sand.u32 $0x1C00, s7;
	s5 =	sand.u32 $0x70, s8  }
0x68: {  	s5 =	sor.u32 s5, s9  }
0x69: {  	[tilespmem:s5+$0x18380] =	vst v1  }
0x6a: {  	v1 =	vld.idx.msk [tilespmem:v2+s31+$0x0], $0xffff;
	_ =	sdelay $0x1  }
0x6b: {  	v2 =	vor.u32 $0x2, v0;
	_ =	sdelay $0x3  }
0x6c: {  	[tilespmem:s5+$0x18400] =	vst v1  }
0x6d: {  	v1 =	vld.idx.msk [tilespmem:v2+s31+$0x0], $0xffff;
	_ =	sdelay $0x1  }
0x6e: {  	v2 =	vor.u32 $0x3, v0;
	_ =	sdelay $0x3  }
0x6f: {  	[tilespmem:s5+$0x18480] =	vst v1  }
0x70: {  	v1 =	vld.idx.msk [tilespmem:v2+s31+$0x0], $0xffff;
	_ =	sdelay $0x1  }
0x71: {  	v2 =	vor.u32 $0x4, v0;
	_ =	sdelay $0x3  }
0x72: {  	[tilespmem:s5+$0x18500] =	vst v1  }
0x73: {  	v1 =	vld.idx.msk [tilespmem:v2+s31+$0x0], $0xffff;
	_ =	sdelay $0x1  }
0x74: {  	v2 =	vor.u32 $0x5, v0;
	_ =	sdelay $0x3  }
0x75: {  	[tilespmem:s5+$0x18580] =	vst v1  }
0x76: {  	v1 =	vld.idx.msk [tilespmem:v2+s31+$0x0], $0xffff;
	_ =	sdelay $0x1  }
0x77: {  	v2 =	vor.u32 $0x6, v0;
	_ =	sdelay $0x3  }
0x78: {  	[tilespmem:s5+$0x18600] =	vst v1  }
0x79: {  	v1 =	vld.idx.msk [tilespmem:v2+s31+$0x0], $0xffff;
	_ =	sdelay $0x1  }
0x7a: {  	v2 =	vor.u32 $0x7, v0;
	_ =	sdelay $0x3  }
0x7b: {  	[tilespmem:s5+$0x18680] =	vst v1  }
0x7c: {  	v1 =	vld.idx.msk [tilespmem:v2+s31+$0x0], $0xffff;
	_ =	sdelay $0x1  }
0x7d: {  	v2 =	vor.u32 $0x8, v0;
	_ =	sdelay $0x1  }
0x7e: {  	s8 =	sor.u32 s7, s8  }
0x7f: {  	s8 =	sor.u32 $0x380, s8  }
0x80: {  	[tilespmem:s8+$0x18380] =	vst v1  }
0x81: {  	v1 =	vld.idx.msk [tilespmem:v2+s31+$0x0], $0xffff;
	_ =	sdelay $0x1  }
0x82: {  	v2 =	vor.u32 $0x9, v0;
	_ =	sdelay $0x3  }
0x83: {  	[tilespmem:s5+$0x19780] =	vst v1  }
0x84: {  	v1 =	vld.idx.msk [tilespmem:v2+s31+$0x0], $0xffff;
	_ =	sdelay $0x1  }
0x85: {  	v2 =	vor.u32 $0xA, v0;
	_ =	sdelay $0x3  }
0x86: {  	[tilespmem:s5+$0x19800] =	vst v1  }
0x87: {  	v1 =	vld.idx.msk [tilespmem:v2+s31+$0x0], $0xffff;
	_ =	sdelay $0x1  }
0x88: {  	v2 =	vor.u32 $0xB, v0;
	_ =	sdelay $0x3  }
0x89: {  	[tilespmem:s5+$0x19880] =	vst v1  }
0x8a: {  	v1 =	vld.idx.msk [tilespmem:v2+s31+$0x0], $0xffff;
	_ =	sdelay $0x1  }
0x8b: {  	v2 =	vor.u32 $0xC, v0;
	_ =	sdelay $0x3  }
0x8c: {  	[tilespmem:s5+$0x19900] =	vst v1  }
0x8d: {  	v1 =	vld.idx.msk [tilespmem:v2+s31+$0x0], $0xffff;
	_ =	sdelay $0x1  }
0x8e: {  	v2 =	vor.u32 $0xD, v0;
	_ =	sdelay $0x3  }
0x8f: {  	[tilespmem:s5+$0x19980] =	vst v1  }
0x90: {  	v1 =	vld.idx.msk [tilespmem:v2+s31+$0x0], $0xffff;
	_ =	sdelay $0x1  }
0x91: {  	v2 =	vor.u32 $0xE, v0;
	_ =	sdelay $0x3  }
0x92: {  	[tilespmem:s5+$0x19A00] =	vst v1  }
0x93: {  	v1 =	vld.idx.msk [tilespmem:v2+s31+$0x0], $0xffff;
	_ =	sdelay $0x1  }
0x94: {  	v0 =	vor.u32 $0xF, v0  }
.Ltmp0:
0x95: {  	(pc) =	sbr.rel @p0 .LBB2_2-.Ltmp0, $3  }
0x96: {  	_ =	sdelay $0x1  }
0x97: {  	[tilespmem:s5+$0x19A80] =	vst v1  }
0x98: {  	v0 =	vld.idx.msk [tilespmem:v0+s31+$0x0], $0xffff  }
0x99: {  	_ =	sdelay $0x3  }
0x9a: {  	s4 =	rddreg [dreg:$0x9];
	[tilespmem:s5+$0x19B00] =	vst v0  }
0x9b: {  	[hbm4b:s4+s0] =	stream.strided.scatter [tilespmem:s24], [sflag:$0x2], $0x2800, s2, s0, $0x38;
	[tilespmem:$0x1AB80] =	vst v63  }
0x9c: {  	_ =	swait.ge [sflag:s20], $0x2800  }
0x9d: {  	[sflag:s20] =	ssyncset.done $0x0  }
0x9e: {  	s4 =	simm.s32 $0x0;
	s8 =	rddreg [dreg:$0x5];
	[sflag:s20] =	ssyncadd.s32 $0xFFFFD800  }
0x9f: {  	[tilespmem:s31], [sflag:$0x2] =	stream.linear.gather [hbm4b:s8+s4], $0x3E80, $0x38;
	[tilespmem:$0x1AB80] =	vst v63  }
0xa0: {  	_ =	swait.ge [sflag:s20], $0x3E80  }
0xa1: {  	[sflag:s20] =	ssyncset.done $0x0  }
0xa2: {  	s5 =	simm.s32 $0x280;
	[sflag:s20] =	ssyncadd.s32 $0xFFFFC180  }
0xa3: {  	[tilespmem:s5], [sflag:$0x2] =	stream.linear.gather [hbm4b:s10+s4], $0x280, $0x38;
	[tilespmem:$0x1AB80] =	vst v63  }
0xa4: {  	_ =	swait.ge [sflag:s20], $0x280  }
0xa5: {  	[sflag:s20] =	ssyncset.done $0x0  }
0xa6: {  	[sflag:s20] =	ssyncadd.s32 $0xFFFFFD80  }
0xa7: {  	v0 =	vld [tilespmem:s5+$0x0];
	_ =	sdelay $0x4  }
0xa8: {  	v0 =	vshll.u32 v0, $0x4;
	_ =	sdelay $0x4  }
0xa9: {  	v1 =	vld.idx.msk [tilespmem:v0+s31+$0x0], $0xffff  }
0xaa: {  	v2 =	vor.u32 $0x1, v0;
	_ =	sdelay $0x1  }
0xab: {  	s6 =	sand.u32 $0x70, s4;
	s7 =	sand.u32 $0x1C00, s4  }
0xac: {  	s6 =	sor.u32 s6, s7  }
0xad: {  	[tilespmem:s6+$0x18380] =	vst v1  }
0xae: {  	v1 =	vld.idx.msk [tilespmem:v2+s31+$0x0], $0xffff  }
0xaf: {  	v2 =	vor.u32 $0x2, v0;
	_ =	sdelay $0x3  }
0xb0: {  	[tilespmem:s6+$0x18400] =	vst v1  }
0xb1: {  	v1 =	vld.idx.msk [tilespmem:v2+s31+$0x0], $0xffff  }
0xb2: {  	v2 =	vor.u32 $0x3, v0;
	_ =	sdelay $0x3  }
0xb3: {  	[tilespmem:s6+$0x18480] =	vst v1  }
0xb4: {  	v1 =	vld.idx.msk [tilespmem:v2+s31+$0x0], $0xffff  }
0xb5: {  	v2 =	vor.u32 $0x4, v0;
	_ =	sdelay $0x3  }
0xb6: {  	[tilespmem:s6+$0x18500] =	vst v1  }
0xb7: {  	v1 =	vld.idx.msk [tilespmem:v2+s31+$0x0], $0xffff  }
0xb8: {  	v2 =	vor.u32 $0x5, v0;
	_ =	sdelay $0x3  }
0xb9: {  	[tilespmem:s6+$0x18580] =	vst v1  }
0xba: {  	v1 =	vld.idx.msk [tilespmem:v2+s31+$0x0], $0xffff  }
0xbb: {  	v2 =	vor.u32 $0x6, v0;
	_ =	sdelay $0x3  }
0xbc: {  	[tilespmem:s6+$0x18600] =	vst v1  }
0xbd: {  	v1 =	vld.idx.msk [tilespmem:v2+s31+$0x0], $0xffff  }
0xbe: {  	v2 =	vor.u32 $0x7, v0;
	_ =	sdelay $0x3  }
0xbf: {  	[tilespmem:s6+$0x18680] =	vst v1  }
0xc0: {  	v1 =	vld.idx.msk [tilespmem:v2+s31+$0x0], $0xffff  }
0xc1: {  	v2 =	vor.u32 $0x8, v0;
	_ =	sdelay $0x1  }
0xc2: {  	s9 =	sor.u32 s4, s4  }
0xc3: {  	s7 =	sor.u32 $0x380, s9  }
0xc4: {  	[tilespmem:s7+$0x18380] =	vst v1  }
0xc5: {  	v1 =	vld.idx.msk [tilespmem:v2+s31+$0x0], $0xffff  }
0xc6: {  	v2 =	vor.u32 $0x9, v0;
	_ =	sdelay $0x3  }
0xc7: {  	[tilespmem:s6+$0x19780] =	vst v1  }
0xc8: {  	v1 =	vld.idx.msk [tilespmem:v2+s31+$0x0], $0xffff  }
0xc9: {  	v2 =	vor.u32 $0xA, v0;
	_ =	sdelay $0x3  }
0xca: {  	[tilespmem:s6+$0x19800] =	vst v1  }
0xcb: {  	v1 =	vld.idx.msk [tilespmem:v2+s31+$0x0], $0xffff  }
0xcc: {  	v2 =	vor.u32 $0xB, v0;
	_ =	sdelay $0x3  }
0xcd: {  	[tilespmem:s6+$0x19880] =	vst v1  }
0xce: {  	v1 =	vld.idx.msk [tilespmem:v2+s31+$0x0], $0xffff  }
0xcf: {  	v2 =	vor.u32 $0xC, v0;
	_ =	sdelay $0x3  }
0xd0: {  	[tilespmem:s6+$0x19900] =	vst v1  }
0xd1: {  	v1 =	vld.idx.msk [tilespmem:v2+s31+$0x0], $0xffff  }
0xd2: {  	v2 =	vor.u32 $0xD, v0;
	_ =	sdelay $0x3  }
0xd3: {  	[tilespmem:s6+$0x19980] =	vst v1  }
0xd4: {  	v1 =	vld.idx.msk [tilespmem:v2+s31+$0x0], $0xffff  }
0xd5: {  	v2 =	vor.u32 $0xE, v0;
	_ =	sdelay $0x3  }
0xd6: {  	[tilespmem:s6+$0x19A00] =	vst v1  }
0xd7: {  	v1 =	vld.idx.msk [tilespmem:v2+s31+$0x0], $0xffff  }
0xd8: {  	v0 =	vor.u32 $0xF, v0;
	_ =	sdelay $0x3  }
0xd9: {  	[tilespmem:s6+$0x19A80] =	vst v1  }
0xda: {  	s7 =	simm.s32 $0x10;
	v0 =	vld.idx.msk [tilespmem:v0+s31+$0x0], $0xffff  }
.LBB2_4:
0xdb: {  	_ =	sdelay $0x3  }
0xdc: {  	p0 =	sne.s32 s7, $0x270;
	s4 =	sadd.s32 $0x80, s4;
	s5 =	sadd.s32 $0x10, s5;
	[tilespmem:s6+$0x19B00] =	vst v0  }
0xdd: {  	s8 =	smov.u32 s7;
	s7 =	sadd.s32 $0x10, s7;
	v0 =	vld [tilespmem:s5+$0x0];
	_ =	sdelay $0x4  }
0xde: {  	v0 =	vshll.u32 v0, $0x4;
	_ =	sdelay $0x4  }
0xdf: {  	v1 =	vld.idx.msk [tilespmem:v0+s31+$0x0], $0xffff;
	_ =	sdelay $0x1  }
0xe0: {  	v2 =	vor.u32 $0x1, v0;
	_ =	sdelay $0x1  }
0xe1: {  	s9 =	sand.u32 $0x1C00, s4;
	s6 =	sand.u32 $0x70, s8  }
0xe2: {  	s6 =	sor.u32 s6, s9  }
0xe3: {  	[tilespmem:s6+$0x18380] =	vst v1  }
0xe4: {  	v1 =	vld.idx.msk [tilespmem:v2+s31+$0x0], $0xffff;
	_ =	sdelay $0x1  }
0xe5: {  	v2 =	vor.u32 $0x2, v0;
	_ =	sdelay $0x3  }
0xe6: {  	[tilespmem:s6+$0x18400] =	vst v1  }
0xe7: {  	v1 =	vld.idx.msk [tilespmem:v2+s31+$0x0], $0xffff;
	_ =	sdelay $0x1  }
0xe8: {  	v2 =	vor.u32 $0x3, v0;
	_ =	sdelay $0x3  }
0xe9: {  	[tilespmem:s6+$0x18480] =	vst v1  }
0xea: {  	v1 =	vld.idx.msk [tilespmem:v2+s31+$0x0], $0xffff;
	_ =	sdelay $0x1  }
0xeb: {  	v2 =	vor.u32 $0x4, v0;
	_ =	sdelay $0x3  }
0xec: {  	[tilespmem:s6+$0x18500] =	vst v1  }
0xed: {  	v1 =	vld.idx.msk [tilespmem:v2+s31+$0x0], $0xffff;
	_ =	sdelay $0x1  }
0xee: {  	v2 =	vor.u32 $0x5, v0;
	_ =	sdelay $0x3  }
0xef: {  	[tilespmem:s6+$0x18580] =	vst v1  }
0xf0: {  	v1 =	vld.idx.msk [tilespmem:v2+s31+$0x0], $0xffff;
	_ =	sdelay $0x1  }
0xf1: {  	v2 =	vor.u32 $0x6, v0;
	_ =	sdelay $0x3  }
0xf2: {  	[tilespmem:s6+$0x18600] =	vst v1  }
0xf3: {  	v1 =	vld.idx.msk [tilespmem:v2+s31+$0x0], $0xffff;
	_ =	sdelay $0x1  }
0xf4: {  	v2 =	vor.u32 $0x7, v0;
	_ =	sdelay $0x3  }
0xf5: {  	[tilespmem:s6+$0x18680] =	vst v1  }
0xf6: {  	v1 =	vld.idx.msk [tilespmem:v2+s31+$0x0], $0xffff;
	_ =	sdelay $0x1  }
0xf7: {  	v2 =	vor.u32 $0x8, v0;
	_ =	sdelay $0x1  }
0xf8: {  	s8 =	sor.u32 s4, s8  }
0xf9: {  	s8 =	sor.u32 $0x380, s8  }
0xfa: {  	[tilespmem:s8+$0x18380] =	vst v1  }
0xfb: {  	v1 =	vld.idx.msk [tilespmem:v2+s31+$0x0], $0xffff;
	_ =	sdelay $0x1  }
0xfc: {  	v2 =	vor.u32 $0x9, v0;
	_ =	sdelay $0x3  }
0xfd: {  	[tilespmem:s6+$0x19780] =	vst v1  }
0xfe: {  	v1 =	vld.idx.msk [tilespmem:v2+s31+$0x0], $0xffff;
	_ =	sdelay $0x1  }
0xff: {  	v2 =	vor.u32 $0xA, v0;
	_ =	sdelay $0x3  }
0x100: {  	[tilespmem:s6+$0x19800] =	vst v1  }
0x101: {  	v1 =	vld.idx.msk [tilespmem:v2+s31+$0x0], $0xffff;
	_ =	sdelay $0x1  }
0x102: {  	v2 =	vor.u32 $0xB, v0;
	_ =	sdelay $0x3  }
0x103: {  	[tilespmem:s6+$0x19880] =	vst v1  }
0x104: {  	v1 =	vld.idx.msk [tilespmem:v2+s31+$0x0], $0xffff;
	_ =	sdelay $0x1  }
0x105: {  	v2 =	vor.u32 $0xC, v0;
	_ =	sdelay $0x3  }
0x106: {  	[tilespmem:s6+$0x19900] =	vst v1  }
0x107: {  	v1 =	vld.idx.msk [tilespmem:v2+s31+$0x0], $0xffff;
	_ =	sdelay $0x1  }
0x108: {  	v2 =	vor.u32 $0xD, v0;
	_ =	sdelay $0x3  }
0x109: {  	[tilespmem:s6+$0x19980] =	vst v1  }
0x10a: {  	v1 =	vld.idx.msk [tilespmem:v2+s31+$0x0], $0xffff;
	_ =	sdelay $0x1  }
0x10b: {  	v2 =	vor.u32 $0xE, v0;
	_ =	sdelay $0x3  }
0x10c: {  	[tilespmem:s6+$0x19A00] =	vst v1  }
0x10d: {  	v1 =	vld.idx.msk [tilespmem:v2+s31+$0x0], $0xffff;
	_ =	sdelay $0x1  }
0x10e: {  	v0 =	vor.u32 $0xF, v0  }
.Ltmp1:
0x10f: {  	(pc) =	sbr.rel @p0 .LBB2_4-.Ltmp1, $3  }
0x110: {  	_ =	sdelay $0x1  }
0x111: {  	[tilespmem:s6+$0x19A80] =	vst v1  }
0x112: {  	v0 =	vld.idx.msk [tilespmem:v0+s31+$0x0], $0xffff  }
0x113: {  	_ =	sdelay $0x3  }
0x114: {  	[tilespmem:s6+$0x19B00] =	vst v0  }
0x115: {  	[hbm4b:s11+s0] =	stream.strided.scatter [tilespmem:s24], [sflag:$0x2], $0x2800, s2, s0, $0x38;
	[tilespmem:$0x1AB80] =	vst v63  }
0x116: {  	_ =	swait.ge [sflag:s20], $0x2800  }
0x117: {  	[sflag:s20] =	ssyncset.done $0x0  }
0x118: {  	s4 =	simm.s32 $0x0;
	s5 =	rddreg [dreg:$0x6];
	[sflag:s20] =	ssyncadd.s32 $0xFFFFD800  }
0x119: {  	[tilespmem:s31], [sflag:$0x2] =	stream.linear.gather [hbm4b:s5+s4], $0x3E80, $0x38;
	[tilespmem:$0x1AB80] =	vst v63  }
0x11a: {  	_ =	swait.ge [sflag:s20], $0x3E80  }
0x11b: {  	[sflag:s20] =	ssyncset.done $0x0  }
0x11c: {  	s5 =	simm.s32 $0x280;
	[sflag:s20] =	ssyncadd.s32 $0xFFFFC180  }
0x11d: {  	[tilespmem:s5], [sflag:$0x2] =	stream.linear.gather [hbm4b:s12+s4], $0x280, $0x38;
	[tilespmem:$0x1AB80] =	vst v63  }
0x11e: {  	_ =	swait.ge [sflag:s20], $0x280  }
0x11f: {  	[sflag:s20] =	ssyncset.done $0x0  }
0x120: {  	[sflag:s20] =	ssyncadd.s32 $0xFFFFFD80  }
0x121: {  	v0 =	vld [tilespmem:s5+$0x0];
	_ =	sdelay $0x4  }
0x122: {  	v0 =	vshll.u32 v0, $0x4;
	_ =	sdelay $0x4  }
0x123: {  	v1 =	vld.idx.msk [tilespmem:v0+s31+$0x0], $0xffff  }
0x124: {  	v2 =	vor.u32 $0x1, v0;
	_ =	sdelay $0x1  }
0x125: {  	s8 =	sand.u32 $0x70, s4;
	s7 =	sand.u32 $0x1C00, s4  }
0x126: {  	s6 =	sor.u32 s8, s7  }
0x127: {  	[tilespmem:s6+$0x18380] =	vst v1  }
0x128: {  	v1 =	vld.idx.msk [tilespmem:v2+s31+$0x0], $0xffff  }
0x129: {  	v2 =	vor.u32 $0x2, v0;
	_ =	sdelay $0x3  }
0x12a: {  	[tilespmem:s6+$0x18400] =	vst v1  }
0x12b: {  	v1 =	vld.idx.msk [tilespmem:v2+s31+$0x0], $0xffff  }
0x12c: {  	v2 =	vor.u32 $0x3, v0;
	_ =	sdelay $0x3  }
0x12d: {  	[tilespmem:s6+$0x18480] =	vst v1  }
0x12e: {  	v1 =	vld.idx.msk [tilespmem:v2+s31+$0x0], $0xffff  }
0x12f: {  	v2 =	vor.u32 $0x4, v0;
	_ =	sdelay $0x3  }
0x130: {  	[tilespmem:s6+$0x18500] =	vst v1  }
0x131: {  	v1 =	vld.idx.msk [tilespmem:v2+s31+$0x0], $0xffff  }
0x132: {  	v2 =	vor.u32 $0x5, v0;
	_ =	sdelay $0x3  }
0x133: {  	[tilespmem:s6+$0x18580] =	vst v1  }
0x134: {  	v1 =	vld.idx.msk [tilespmem:v2+s31+$0x0], $0xffff  }
0x135: {  	v2 =	vor.u32 $0x6, v0;
	_ =	sdelay $0x3  }
0x136: {  	[tilespmem:s6+$0x18600] =	vst v1  }
0x137: {  	v1 =	vld.idx.msk [tilespmem:v2+s31+$0x0], $0xffff  }
0x138: {  	v2 =	vor.u32 $0x7, v0;
	_ =	sdelay $0x3  }
0x139: {  	[tilespmem:s6+$0x18680] =	vst v1  }
0x13a: {  	v1 =	vld.idx.msk [tilespmem:v2+s31+$0x0], $0xffff  }
0x13b: {  	v2 =	vor.u32 $0x8, v0;
	_ =	sdelay $0x1  }
0x13c: {  	s9 =	sor.u32 s4, s4  }
0x13d: {  	s7 =	sor.u32 $0x380, s9  }
0x13e: {  	[tilespmem:s7+$0x18380] =	vst v1  }
0x13f: {  	v1 =	vld.idx.msk [tilespmem:v2+s31+$0x0], $0xffff  }
0x140: {  	v2 =	vor.u32 $0x9, v0;
	_ =	sdelay $0x3  }
0x141: {  	[tilespmem:s6+$0x19780] =	vst v1  }
0x142: {  	v1 =	vld.idx.msk [tilespmem:v2+s31+$0x0], $0xffff  }
0x143: {  	v2 =	vor.u32 $0xA, v0;
	_ =	sdelay $0x3  }
0x144: {  	[tilespmem:s6+$0x19800] =	vst v1  }
0x145: {  	v1 =	vld.idx.msk [tilespmem:v2+s31+$0x0], $0xffff  }
0x146: {  	v2 =	vor.u32 $0xB, v0;
	_ =	sdelay $0x3  }
0x147: {  	[tilespmem:s6+$0x19880] =	vst v1  }
0x148: {  	v1 =	vld.idx.msk [tilespmem:v2+s31+$0x0], $0xffff  }
0x149: {  	v2 =	vor.u32 $0xC, v0;
	_ =	sdelay $0x3  }
0x14a: {  	[tilespmem:s6+$0x19900] =	vst v1  }
0x14b: {  	v1 =	vld.idx.msk [tilespmem:v2+s31+$0x0], $0xffff  }
0x14c: {  	v2 =	vor.u32 $0xD, v0;
	_ =	sdelay $0x3  }
0x14d: {  	[tilespmem:s6+$0x19980] =	vst v1  }
0x14e: {  	v1 =	vld.idx.msk [tilespmem:v2+s31+$0x0], $0xffff  }
0x14f: {  	v2 =	vor.u32 $0xE, v0;
	_ =	sdelay $0x3  }
0x150: {  	[tilespmem:s6+$0x19A00] =	vst v1  }
0x151: {  	v1 =	vld.idx.msk [tilespmem:v2+s31+$0x0], $0xffff  }
0x152: {  	v0 =	vor.u32 $0xF, v0;
	_ =	sdelay $0x3  }
0x153: {  	[tilespmem:s6+$0x19A80] =	vst v1  }
0x154: {  	s7 =	simm.s32 $0x10;
	v0 =	vld.idx.msk [tilespmem:v0+s31+$0x0], $0xffff  }
.LBB2_6:
0x155: {  	_ =	sdelay $0x3  }
0x156: {  	p0 =	sne.s32 s7, $0x270;
	s4 =	sadd.s32 $0x80, s4;
	s5 =	sadd.s32 $0x10, s5;
	[tilespmem:s6+$0x19B00] =	vst v0  }
0x157: {  	s8 =	smov.u32 s7;
	s7 =	sadd.s32 $0x10, s7;
	v0 =	vld [tilespmem:s5+$0x0];
	_ =	sdelay $0x4  }
0x158: {  	v0 =	vshll.u32 v0, $0x4;
	_ =	sdelay $0x4  }
0x159: {  	v1 =	vld.idx.msk [tilespmem:v0+s31+$0x0], $0xffff;
	_ =	sdelay $0x1  }
0x15a: {  	v2 =	vor.u32 $0x1, v0;
	_ =	sdelay $0x1  }
0x15b: {  	s9 =	sand.u32 $0x1C00, s4;
	s6 =	sand.u32 $0x70, s8  }
0x15c: {  	s6 =	sor.u32 s6, s9  }
0x15d: {  	[tilespmem:s6+$0x18380] =	vst v1  }
0x15e: {  	v1 =	vld.idx.msk [tilespmem:v2+s31+$0x0], $0xffff;
	_ =	sdelay $0x1  }
0x15f: {  	v2 =	vor.u32 $0x2, v0;
	_ =	sdelay $0x3  }
0x160: {  	[tilespmem:s6+$0x18400] =	vst v1  }
0x161: {  	v1 =	vld.idx.msk [tilespmem:v2+s31+$0x0], $0xffff;
	_ =	sdelay $0x1  }
0x162: {  	v2 =	vor.u32 $0x3, v0;
	_ =	sdelay $0x3  }
0x163: {  	[tilespmem:s6+$0x18480] =	vst v1  }
0x164: {  	v1 =	vld.idx.msk [tilespmem:v2+s31+$0x0], $0xffff;
	_ =	sdelay $0x1  }
0x165: {  	v2 =	vor.u32 $0x4, v0;
	_ =	sdelay $0x3  }
0x166: {  	[tilespmem:s6+$0x18500] =	vst v1  }
0x167: {  	v1 =	vld.idx.msk [tilespmem:v2+s31+$0x0], $0xffff;
	_ =	sdelay $0x1  }
0x168: {  	v2 =	vor.u32 $0x5, v0;
	_ =	sdelay $0x3  }
0x169: {  	[tilespmem:s6+$0x18580] =	vst v1  }
0x16a: {  	v1 =	vld.idx.msk [tilespmem:v2+s31+$0x0], $0xffff;
	_ =	sdelay $0x1  }
0x16b: {  	v2 =	vor.u32 $0x6, v0;
	_ =	sdelay $0x3  }
0x16c: {  	[tilespmem:s6+$0x18600] =	vst v1  }
0x16d: {  	v1 =	vld.idx.msk [tilespmem:v2+s31+$0x0], $0xffff;
	_ =	sdelay $0x1  }
0x16e: {  	v2 =	vor.u32 $0x7, v0;
	_ =	sdelay $0x3  }
0x16f: {  	[tilespmem:s6+$0x18680] =	vst v1  }
0x170: {  	v1 =	vld.idx.msk [tilespmem:v2+s31+$0x0], $0xffff;
	_ =	sdelay $0x1  }
0x171: {  	v2 =	vor.u32 $0x8, v0;
	_ =	sdelay $0x1  }
0x172: {  	s8 =	sor.u32 s4, s8  }
0x173: {  	s8 =	sor.u32 $0x380, s8  }
0x174: {  	[tilespmem:s8+$0x18380] =	vst v1  }
0x175: {  	v1 =	vld.idx.msk [tilespmem:v2+s31+$0x0], $0xffff;
	_ =	sdelay $0x1  }
0x176: {  	v2 =	vor.u32 $0x9, v0;
	_ =	sdelay $0x3  }
0x177: {  	[tilespmem:s6+$0x19780] =	vst v1  }
0x178: {  	v1 =	vld.idx.msk [tilespmem:v2+s31+$0x0], $0xffff;
	_ =	sdelay $0x1  }
0x179: {  	v2 =	vor.u32 $0xA, v0;
	_ =	sdelay $0x3  }
0x17a: {  	[tilespmem:s6+$0x19800] =	vst v1  }
0x17b: {  	v1 =	vld.idx.msk [tilespmem:v2+s31+$0x0], $0xffff;
	_ =	sdelay $0x1  }
0x17c: {  	v2 =	vor.u32 $0xB, v0;
	_ =	sdelay $0x3  }
0x17d: {  	[tilespmem:s6+$0x19880] =	vst v1  }
0x17e: {  	v1 =	vld.idx.msk [tilespmem:v2+s31+$0x0], $0xffff;
	_ =	sdelay $0x1  }
0x17f: {  	v2 =	vor.u32 $0xC, v0;
	_ =	sdelay $0x3  }
0x180: {  	[tilespmem:s6+$0x19900] =	vst v1  }
0x181: {  	v1 =	vld.idx.msk [tilespmem:v2+s31+$0x0], $0xffff;
	_ =	sdelay $0x1  }
0x182: {  	v2 =	vor.u32 $0xD, v0;
	_ =	sdelay $0x3  }
0x183: {  	[tilespmem:s6+$0x19980] =	vst v1  }
0x184: {  	v1 =	vld.idx.msk [tilespmem:v2+s31+$0x0], $0xffff;
	_ =	sdelay $0x1  }
0x185: {  	v2 =	vor.u32 $0xE, v0;
	_ =	sdelay $0x3  }
0x186: {  	[tilespmem:s6+$0x19A00] =	vst v1  }
0x187: {  	v1 =	vld.idx.msk [tilespmem:v2+s31+$0x0], $0xffff;
	_ =	sdelay $0x1  }
0x188: {  	v0 =	vor.u32 $0xF, v0  }
.Ltmp2:
0x189: {  	(pc) =	sbr.rel @p0 .LBB2_6-.Ltmp2, $3  }
0x18a: {  	_ =	sdelay $0x1  }
0x18b: {  	[tilespmem:s6+$0x19A80] =	vst v1  }
0x18c: {  	v0 =	vld.idx.msk [tilespmem:v0+s31+$0x0], $0xffff  }
0x18d: {  	_ =	sdelay $0x3  }
0x18e: {  	[tilespmem:s6+$0x19B00] =	vst v0  }
0x18f: {  	[hbm4b:s13+s0] =	stream.strided.scatter [tilespmem:s24], [sflag:$0x2], $0x2800, s2, s0, $0x38;
	[tilespmem:$0x1AB80] =	vst v63  }
0x190: {  	_ =	swait.ge [sflag:s20], $0x2800  }
0x191: {  	[sflag:s20] =	ssyncset.done $0x0  }
0x192: {  	[sflag:s20] =	ssyncadd.s32 $0xFFFFD800  }
0x193: {  	_ =	swait.ge [sflag:s26], $0x4000  }
0x194: {  	[sflag:s26] =	ssyncset.done $0x0  }
0x195: {  	[sflag:s26] =	ssyncadd.s32 $0xFFFFC000  }
0x196: {  	[hbm4b:s14+s3] =	stream.linear.scatter [tilespmem:s22], [sflag:$0x2], $0x4000, $0x38;
	[tilespmem:$0x1AB80] =	vst v63  }
0x197: {  	_ =	swait.ge [sflag:s20], $0x4000  }
0x198: {  	[sflag:s20] =	ssyncset.done $0x0  }
0x199: {  	[sflag:s20] =	ssyncadd.s32 $0xFFFFC000  }
0x19a: {  	_ =	swait.ge [sflag:s26], $0x4000  }
0x19b: {  	[sflag:s26] =	ssyncset.done $0x0  }
0x19c: {  	[sflag:s26] =	ssyncadd.s32 $0xFFFFC000  }
0x19d: {  	[hbm4b:s15+s3] =	stream.linear.scatter [tilespmem:s23], [sflag:$0x2], $0x4000, $0x38;
	[tilespmem:$0x1AB80] =	vst v63  }
0x19e: {  	_ =	swait.ge [sflag:s20], $0x4000  }
0x19f: {  	[sflag:s20] =	ssyncset.done $0x0  }
0x1a0: {  	[sflag:s20] =	ssyncadd.s32 $0xFFFFC000  }
0x1a1: {  	_ =	swait.ge [sflag:s26], $0x4000  }
0x1a2: {  	[sflag:s26] =	ssyncset.done $0x0  }
0x1a3: {  	[sflag:s26] =	ssyncadd.s32 $0xFFFFC000  }
0x1a4: {  	[hbm4b:s16+s3] =	stream.linear.scatter [tilespmem:s25], [sflag:$0x2], $0x4000, $0x38;
	[tilespmem:$0x1AB80] =	vst v63  }
0x1a5: {  	_ =	swait.ge [sflag:s20], $0x4000  }
0x1a6: {  	[sflag:s20] =	ssyncset.done $0x0  }
0x1a7: {  	[sflag:s20] =	ssyncadd.s32 $0xFFFFC000  }
0x1a8: {  	_ =	swait.ge [sflag:s26], $0x4000  }
0x1a9: {  	[sflag:s26] =	ssyncset.done $0x0  }
0x1aa: {  	[sflag:s26] =	ssyncadd.s32 $0xFFFFC000  }
0x1ab: {  	[hbm4b:s17+s3] =	stream.linear.scatter [tilespmem:s28], [sflag:$0x2], $0x4000, $0x38;
	[tilespmem:$0x1AB80] =	vst v63  }
0x1ac: {  	_ =	swait.ge [sflag:s20], $0x4000  }
0x1ad: {  	[sflag:s20] =	ssyncset.done $0x0  }
0x1ae: {  	[sflag:s20] =	ssyncadd.s32 $0xFFFFC000  }
0x1af: {  	s29 =	sadd.s32 $0x1, s29;
	_ =	swait.ge [sflag:s26], $0x4000  }
0x1b0: {  	p0 =	sne.s32 s29, s19;
	[sflag:s26] =	ssyncset.done $0x0  }
.Ltmp3:
0x1b1: {  	[sflag:s26] =	ssyncadd.s32 $0xFFFFC000;
	(pc) =	sbr.rel @p0 .LBB2_1-.Ltmp3, $4  }
0x1b2: {  	[hbm4b:s18+s3] =	stream.linear.scatter [tilespmem:s30], [sflag:$0x2], $0x4000, $0x38;
	[tilespmem:$0x1AB80] =	vst v63  }
0x1b3: {  	_ =	swait.ge [sflag:s20], $0x4000  }
0x1b4: {  	[sflag:s20] =	ssyncset.done $0x0  }
0x1b5: {  	[sflag:s20] =	ssyncadd.s32 $0xFFFFC000  }
0x1b6: {  	_ =	sfence.sel $0x180000  }
0x1b7: {  	[bflag:$0x0] =	sbarrier.arrive $0xFFFF  }
0x1b8: {  	_ =	strace $0x90000047  }
0x1b9: {  	s0 =	stileid.u32;
	[bflag:$0x2] =	sbarrier.arrive $0xFFFF  }
0x1ba: {  	p0 =	sne.s32 s0, $0x0;
	s0 =	rddreg [dreg:$0x3]  }
0x1bb: {  	s0 =	sadd.s32 @!p0 $0x100000, s0  }
0x1bc: {  	[sflag:s0] =	ssyncadd.tile.s32 @!p0 $0x1;
	_ =	shalt  }
.Lfunc_end2:
_tile_overlayer_lowered:
.L_overlay_start_2:
0x1bd: {  	(tag) =	ssettag $0x2  }
0x1be: {  	s0 =	rddreg [dreg:$0x0];
	s2 =	stileid.u32  }
0x1bf: {  	s1 =	rddreg [dreg:$0x1];
	p0 =	sne.s32 s2, $0x0  }
0x1c0: {  	s3 =	rddreg [dreg:$0x2];
	[bflag:$0x3] =	sbarrier.arrive $0xFFFF;
	s2 =	simm.s32 @!p0 $0x1C02  }
0x1c1: {  	[timem:s3], [sflag:s2] =	dma.local @!p0 [hbm:s0], s1  }
0x1c2: {  	s0 =	simm.s32 @!p0 $0x2  }
0x1c3: {  	_ =	swait.ge @!p0 [sflag:s0], s1  }
0x1c4: {  	s1 =	ssub.s32 @!p0 $0x0, s1;
	[sflag:s0] =	ssyncset.done @!p0 $0x0  }
0x1c5: {  	[sflag:s0] =	ssyncadd.s32 @!p0 s1  }
0x1c6: {  	[bflag:$0x3] =	sbarrier.arrive $0xFFFF  }
0x1c7: {  	_ =	shalt  }

</sc_bundles>
